<compile_context>
chip_gen: v7x
topology: tpu7x:2x2x1
jax: 0.10.2.dev20260603
libtpu: 0.0.44.dev20260713+nightly
codegen_flags: <defaults>
</compile_context>

<pallas_src>
import functools

import jax
import jax.numpy as jnp
import numpy as np
from jax import lax
from jax.experimental import pallas as pl
from jax.experimental.pallas import tpu as pltpu
from jax.experimental.pallas import tpu_sc as plsc

_DEG = np.pi / 180.0
_H_LO, _H_HI = -180.0 * _DEG, 180.0 * _DEG
_V_LO, _V_HI = -25.0 * _DEG, 3.0 * _DEG
_W = 1800
_H = 64
_B = 4
_NSEC = 8
_SECW = 256
_INVALID = -16384

_NPAD = 120320
_TC_BLK = 1280
_CH = 640
_NF = 7
_CSTRIDE = _H * _SECW
_IMGW = _NF * _CSTRIDE


def _tc_body(bs_ref, pts_ref, out_ref, idx_ref):
    batch_size = bs_ref[0]
    bsf = pts_ref[0]
    x = pts_ref[1]
    y = pts_ref[2]
    z = pts_ref[3]
    inten = pts_ref[4]

    r = jnp.sqrt((x * x + y * y) + z * z)
    theta = -jnp.arctan2(y, x)
    rc = jnp.maximum(r, 1e-5)
    t = z / rc
    phi = -(2.0 * jnp.arctan2(t, 1.0 + jnp.sqrt((1.0 + t) * (1.0 - t))))

    u_n = (theta - _H_LO) / (_H_HI - _H_LO)
    v_n = (phi - _V_LO) / (_V_HI - _V_LO)
    in_fov = (u_n >= 0) & (u_n < 1) & (v_n >= 0) & (v_n < 1)

    bsi = bsf.astype(jnp.int32)
    okb = (bsi.astype(jnp.float32) == bsf) & (bsi >= 0) & (bsi < batch_size)
    m = in_fov & okb

    u = (u_n * _W).astype(jnp.int32)
    v = (v_n * _H).astype(jnp.int32)
    su = lax.shift_right_logical(u, 8)
    ul = u & 255
    sector = bsi * _NSEC + su
    packed = (sector << 14) | (v << 8) | ul
    packed = jnp.where(m, packed, _INVALID)

    out_ref[...] = jnp.concatenate(
        [a[None] for a in (x, y, z, r, theta, phi, inten)], axis=0)
    idx_ref[...] = packed[None]


def _tc_features(points_t, batch_size):
    n = points_t.shape[1]
    n8 = n // 8
    pts3 = points_t.reshape(5, 8, n8)
    grid = n8 // _TC_BLK
    bs_arr = jnp.asarray(batch_size, jnp.int32).reshape(1)
    feat, idx = pl.pallas_call(
        _tc_body,
        grid=(grid,),
        in_specs=[
            pl.BlockSpec(memory_space=pltpu.SMEM),
            pl.BlockSpec((5, 8, _TC_BLK), lambda i: (0, 0, i)),
        ],
        out_specs=[
            pl.BlockSpec((_NF, 8, _TC_BLK), lambda i: (0, 0, i)),
            pl.BlockSpec((1, 8, _TC_BLK), lambda i: (0, 0, i)),
        ],
        out_shape=[
            jax.ShapeDtypeStruct((_NF, 8, n8), jnp.float32),
            jax.ShapeDtypeStruct((1, 8, n8), jnp.int32),
        ],
    )(bs_arr, pts3)
    return feat.reshape(_NF, n), idx.reshape(1, n)


def _sc_body(feat_hbm, idx_hbm, out_hbm, img, buf_a, bufi_a, buf_b, bufi_b,
             poslist, poslist2, sem_a, sem_b):
    cid = lax.axis_index("c")
    sid = lax.axis_index("s")
    wid = sid * 2 + cid
    b = wid // _NSEC

    zero = jnp.zeros((16,), jnp.float32)

    def zrow(i, _):
        for k in range(4):
            img[pl.ds((i * 4 + k) * 16, 16)] = zero
        return 0

    lax.fori_loop(0, _IMGW // 64, zrow, 0, unroll=2)

    def start(ci, buf, bufi, sem):
        base = b * _NPAD + ci * _CH
        pltpu.async_copy(feat_hbm.at[:, pl.ds(base, _CH)], buf, sem)
        pltpu.async_copy(idx_hbm.at[:, pl.ds(base, _CH)], bufi, sem)

    def wait(buf, bufi, sem):
        pltpu.make_async_copy(feat_hbm.at[:, pl.ds(0, _CH)], buf, sem).wait()
        pltpu.make_async_copy(idx_hbm.at[:, pl.ds(0, _CH)], bufi, sem).wait()

    def process(buf, bufi):
        iota16 = lax.iota(jnp.int32, 16)
        halfg = _CH // 32

        def half_step(o, cnt, plist):
            pidx = bufi[0, pl.ds(o, 16)]
            sector = lax.shift_right_arithmetic(pidx, 14)
            match = sector == wid
            cw = (pidx & (_CSTRIDE - 1)) | ((iota16 + o) << 14)
            plsc.store_compressed(plist.at[pl.ds(cnt, 16)], cw, mask=match)
            return cnt + jnp.sum(match.astype(jnp.int32))

        def grp1(g, carry):
            ca, cb = carry
            ca = half_step(g * 16, ca, poslist)
            cb = half_step((g + halfg) * 16, cb, poslist2)
            return ca, cb

        cnt_a, cnt_b = lax.fori_loop(0, halfg, grp1, (0, 0), unroll=2)

        def scatter_list(plist, cnt):
            def grp2(g, _):
                o = g * 16
                cw = plist[pl.ds(o, 16)]
                pos = lax.shift_right_logical(cw, 14)
                base16 = cw & (_CSTRIDE - 1)
                valid = (iota16 + o) < cnt
                for c in range(_NF):
                    val = plsc.load_gather(
                        buf, [jnp.full((16,), c, jnp.int32), pos], mask=valid)
                    plsc.store_scatter(img, [base16 + c * _CSTRIDE], val,
                                       mask=valid)
                return 0

            lax.fori_loop(0, (cnt + 15) // 16, grp2, 0, unroll=False)

        scatter_list(poslist, cnt_a)
        scatter_list(poslist2, cnt_b)

    nch = _NPAD // _CH
    start(0, buf_a, bufi_a, sem_a)

    def pair(p, _):
        ci = 2 * p
        start(ci + 1, buf_b, bufi_b, sem_b)
        wait(buf_a, bufi_a, sem_a)
        process(buf_a, bufi_a)

        @pl.when(ci + 2 < nch)
        def _():
            start(ci + 2, buf_a, bufi_a, sem_a)

        wait(buf_b, bufi_b, sem_b)
        process(buf_b, bufi_b)
        return 0

    lax.fori_loop(0, nch // 2, pair, 0, unroll=False)

    pltpu.sync_copy(img, out_hbm.at[wid])


def _sc_scatter(feat, idx):
    mesh = plsc.VectorSubcoreMesh(core_axis_name="c", subcore_axis_name="s")
    return pl.kernel(
        _sc_body,
        out_type=jax.ShapeDtypeStruct((_B * _NSEC, _IMGW), jnp.float32),
        mesh=mesh,
        scratch_types=[
            pltpu.VMEM((_IMGW,), jnp.float32),
            pltpu.VMEM((_NF, _CH), jnp.float32),
            pltpu.VMEM((1, _CH), jnp.int32),
            pltpu.VMEM((_NF, _CH), jnp.float32),
            pltpu.VMEM((1, _CH), jnp.int32),
            pltpu.VMEM((_CH // 2 + 16,), jnp.int32),
            pltpu.VMEM((_CH // 2 + 16,), jnp.int32),
            pltpu.SemaphoreType.DMA,
            pltpu.SemaphoreType.DMA,
        ],
        compiler_params=pltpu.CompilerParams(needs_layout_passes=False),
    )(feat, idx)


def kernel(points, batch_size):
    n = points.shape[0]
    npts = n // _B
    pts3 = points.reshape(_B, npts, 5)
    pad = jnp.full((_B, _NPAD - npts, 5), -1.0, jnp.float32)
    ptsp = jnp.concatenate([pts3, pad], axis=1)
    pts_t = ptsp.transpose(2, 0, 1).reshape(5, _B * _NPAD)
    feat, idx = _tc_features(pts_t, batch_size)
    o = _sc_scatter(feat, idx)
    o = o.reshape(_B, _NSEC, _NF, _H, _SECW).transpose(0, 2, 3, 1, 4)
    return o.reshape(_B, _NF, _H, _NSEC * _SECW)[:, :, :, :_W]

# --- scband reference (transcript-rebuilt; emitter-appended) ---
"""Pipeline reference for scband-basic-range-projection-35751307772112 (READ-ONLY COPY).

The authoritative reference and input builder live on the scoring server;
editing this copy changes nothing except your own understanding.
"""

import jax, jax.numpy as jnp
import numpy as np

DEG = np.pi / 180.0
H_FOV = (-180.0 * DEG, 180.0 * DEG)
H_RES = 0.2 * DEG
V_FOV = (-25.0 * DEG, 3.0 * DEG)
V_RES = 0.4375 * DEG
W = int((H_FOV[1] - H_FOV[0]) / H_RES)   # 1800
HH = int((V_FOV[1] - V_FOV[0]) / V_RES)  # 64


def setup_inputs(seed: int = 0) -> dict:
    key = jax.random.key(seed)
    B = 4
    Np = 120000
    k1, k2, k3, k4 = jax.random.split(key, 4)
    r = jax.random.uniform(k1, (B * Np, 1), minval=1.0, maxval=75.0)
    theta = jax.random.uniform(k2, (B * Np, 1), minval=-np.pi * 0.999, maxval=np.pi * 0.999)
    phi = jax.random.uniform(k3, (B * Np, 1), minval=V_FOV[0] * 0.999, maxval=V_FOV[1] * 0.999)
    # rThetaPhi -> xyz (same convention as SphereProjection)
    z = -r * jnp.sin(phi)
    xy = r * jnp.cos(phi)
    x = xy * jnp.cos(theta)
    y = -xy * jnp.sin(theta)
    intensity = jax.random.uniform(k4, (B * Np, 1))
    bs_idx = jnp.repeat(jnp.arange(B, dtype=jnp.float32), Np)[:, None]
    points = jnp.concatenate([bs_idx, x, y, z, intensity], axis=1).astype(jnp.float32)
    return {"points": points, "batch_size": 4}


def xyz_to_rThetaPhi(xyz):
    r = jnp.linalg.norm(xyz, axis=1, keepdims=True)
    theta = (-jnp.arctan2(xyz[:, 1], xyz[:, 0]))[:, None]
    phi = (-jnp.arcsin(xyz[:, 2] / jnp.clip(r[:, 0], 1e-05, None)))[:, None]
    return jnp.concatenate([r, theta, phi], axis=1)


def reference(points, batch_size):
    bs_idx = points[:, 0]
    pts_all = points[:, 1:]
    xyz = pts_all[:, 0:3]
    rtp = xyz_to_rThetaPhi(xyz)
    u_n = (rtp[:, 1] - H_FOV[0]) / (H_FOV[1] - H_FOV[0])
    v_n = (rtp[:, 2] - V_FOV[0]) / (V_FOV[1] - V_FOV[0])
    in_fov = (u_n >= 0) & (u_n < 1) & (v_n >= 0) & (v_n < 1)
    # use_xyz=True: features = [xyz, rThetaPhi, remaining point features]
    features = jnp.concatenate([pts_all[:, 0:3], rtp, pts_all[:, 3:]], axis=1)
    rv_images = []
    for bs in range(4):
        mask = in_fov & (bs_idx == bs) & (jnp.asarray(bs, jnp.int32) < batch_size)
        u = (jnp.where(mask, u_n, 0.0) * W).astype(jnp.int32)
        v_valid = (jnp.where(mask, v_n, 0.0) * HH).astype(jnp.int32)
        v = jnp.where(mask, v_valid, HH)
        rv = jnp.zeros((HH, W, features.shape[1]), dtype=points.dtype).at[v, u].set(features, mode="drop")
        rv_images.append(jnp.transpose(rv, (2, 0, 1))[None])
    return jnp.concatenate(rv_images, axis=0)

if __name__ == "__main__":
    import jax
    _d = setup_inputs()
    print(jax.jit(kernel)(*tuple(_d.values())))

</pallas_src>

<mosaic_0001>
#map = affine_map<(d0, d1) -> (0, 0)>
module attributes {stable_mosaic.version = 14 : i64} {
  func.func @_sc_body(%arg0: i32, %arg1: i32, %arg2: memref<7x481280xf32, #tpu.memory_space<hbm>>, %arg3: memref<1x481280xi32, #tpu.memory_space<hbm>>, %arg4: memref<32x114688xf32, #tpu.memory_space<hbm>>, %arg5: memref<114688xf32, #tpu.memory_space<vmem>>, %arg6: memref<7x640xf32, #tpu.memory_space<vmem>>, %arg7: memref<1x640xi32, #tpu.memory_space<vmem>>, %arg8: memref<7x640xf32, #tpu.memory_space<vmem>>, %arg9: memref<1x640xi32, #tpu.memory_space<vmem>>, %arg10: memref<336xi32, #tpu.memory_space<vmem>>, %arg11: memref<336xi32, #tpu.memory_space<vmem>>, %arg12: memref<!tpu.dma_semaphore, #tpu.memory_space<semaphore_mem>>, %arg13: memref<!tpu.dma_semaphore, #tpu.memory_space<semaphore_mem>>) attributes {dimension_semantics = [#tpu.dimension_semantics<core_parallel>, #tpu.dimension_semantics<subcore_parallel>], iteration_bounds = array<i64: 2, 16>, scalar_prefetch = 0 : i64, scratch_operands = 9 : i64, tpu.core_type = #tpu.core_type<sc_vector_subcore>, window_params = [{transform_indices = #map}, {transform_indices = #map}, {transform_indices = #map}]} {
    %mul3A = arith.constant 2 : i32
    %mul3A_0 = arith.muli %arg1, %mul3A : i32
    %add3A = arith.addi %mul3A_0, %arg0 : i32
    %jit3A = arith.constant 8 : i32
    %div3A = arith.divsi %add3A, %jit3A : i32
    %sign3A = arith.constant 0 : i32
    %sign3A_1 = arith.cmpi sgt, %add3A, %sign3A : i32
    %sign3A_2 = arith.extui %sign3A_1 : i1 to i32
    %sign3A_3 = arith.constant 0 : i32
    %sign3A_4 = arith.cmpi slt, %add3A, %sign3A_3 : i32
    %sign3A_5 = arith.extui %sign3A_4 : i1 to i32
    %sign3A_6 = arith.subi %sign3A_2, %sign3A_5 : i32
    %sign3A_7 = arith.constant 0 : i32
    %sign3A_8 = arith.cmpi sgt, %jit3A, %sign3A_7 : i32
    %sign3A_9 = arith.extui %sign3A_8 : i1 to i32
    %sign3A_10 = arith.constant 0 : i32
    %sign3A_11 = arith.cmpi slt, %jit3A, %sign3A_10 : i32
    %sign3A_12 = arith.extui %sign3A_11 : i1 to i32
    %sign3A_13 = arith.subi %sign3A_9, %sign3A_12 : i32
    %ne3A = arith.cmpi ne, %sign3A_6, %sign3A_13 : i32
    %rem3A = arith.remsi %add3A, %jit3A : i32
    %ne3A_14 = arith.constant 0 : i32
    %ne3A_15 = arith.cmpi ne, %rem3A, %ne3A_14 : i32
    %and3A = arith.andi %ne3A, %ne3A_15 : i1
    %sub3A = arith.constant 1 : i32
    %sub3A_16 = arith.subi %div3A, %sub3A : i32
    %select_n3A = arith.select %and3A, %sub3A_16, %div3A : i32
    %broadcast_in_dim3A = arith.constant 0.000000e+00 : f32
    %broadcast_in_dim3A_17 = vector.broadcast %broadcast_in_dim3A : f32 to vector<16xf32>
    %scan3A = arith.constant 0 : i32
    %scan3A_18 = arith.constant 0 : i32
    %scan3A_19 = arith.constant 1792 : i32
    %scan3A_20 = arith.addi %scan3A_18, %scan3A_19 : i32
    %scan3A_21 = arith.constant 2 : i32
    %scan3A_22 = scf.for %scan3A_42 = %scan3A_18 to %scan3A_20 step %scan3A_21 iter_args(%scan3A_43 = %scan3A) -> (i32)  : i32 {
      %mul3A_44 = arith.constant 4 : i32
      %mul3A_45 = arith.muli %scan3A_42, %mul3A_44 : i32
      %add3A_46 = arith.constant 0 : i32
      %add3A_47 = arith.addi %mul3A_45, %add3A_46 : i32
      %mul3A_48 = arith.constant 16 : i32
      %mul3A_49 = arith.muli %add3A_47, %mul3A_48 : i32
      %swap3A = arith.index_cast %mul3A_49 : i32 to index
      %swap3A_50 = tpu.vector_load %arg5[%swap3A] {strides = array<i32>} : memref<114688xf32, #tpu.memory_space<vmem>>, vector<16xf32>,
      tpu.vector_store %arg5[%swap3A], %broadcast_in_dim3A_17 {strides = array<i32>} : memref<114688xf32, #tpu.memory_space<vmem>>, vector<16xf32>,
      %mul3A_51 = arith.constant 4 : i32
      %mul3A_52 = arith.muli %scan3A_42, %mul3A_51 : i32
      %add3A_53 = arith.constant 1 : i32
      %add3A_54 = arith.addi %mul3A_52, %add3A_53 : i32
      %mul3A_55 = arith.constant 16 : i32
      %mul3A_56 = arith.muli %add3A_54, %mul3A_55 : i32
      %swap3A_57 = arith.index_cast %mul3A_56 : i32 to index
      %swap3A_58 = tpu.vector_load %arg5[%swap3A_57] {strides = array<i32>} : memref<114688xf32, #tpu.memory_space<vmem>>, vector<16xf32>,
      tpu.vector_store %arg5[%swap3A_57], %broadcast_in_dim3A_17 {strides = array<i32>} : memref<114688xf32, #tpu.memory_space<vmem>>, vector<16xf32>,
      %mul3A_59 = arith.constant 4 : i32
      %mul3A_60 = arith.muli %scan3A_42, %mul3A_59 : i32
      %add3A_61 = arith.constant 2 : i32
      %add3A_62 = arith.addi %mul3A_60, %add3A_61 : i32
      %mul3A_63 = arith.constant 16 : i32
      %mul3A_64 = arith.muli %add3A_62, %mul3A_63 : i32
      %swap3A_65 = arith.index_cast %mul3A_64 : i32 to index
      %swap3A_66 = tpu.vector_load %arg5[%swap3A_65] {strides = array<i32>} : memref<114688xf32, #tpu.memory_space<vmem>>, vector<16xf32>,
      tpu.vector_store %arg5[%swap3A_65], %broadcast_in_dim3A_17 {strides = array<i32>} : memref<114688xf32, #tpu.memory_space<vmem>>, vector<16xf32>,
      %mul3A_67 = arith.constant 4 : i32
      %mul3A_68 = arith.muli %scan3A_42, %mul3A_67 : i32
      %add3A_69 = arith.constant 3 : i32
      %add3A_70 = arith.addi %mul3A_68, %add3A_69 : i32
      %mul3A_71 = arith.constant 16 : i32
      %mul3A_72 = arith.muli %add3A_70, %mul3A_71 : i32
      %swap3A_73 = arith.index_cast %mul3A_72 : i32 to index
      %swap3A_74 = tpu.vector_load %arg5[%swap3A_73] {strides = array<i32>} : memref<114688xf32, #tpu.memory_space<vmem>>, vector<16xf32>,
      tpu.vector_store %arg5[%swap3A_73], %broadcast_in_dim3A_17 {strides = array<i32>} : memref<114688xf32, #tpu.memory_space<vmem>>, vector<16xf32>,
      %scan3A_75 = arith.constant 0 : i32
      %scan3A_76 = arith.constant 1 : i32
      %scan3A_77 = arith.addi %scan3A_42, %scan3A_76 : i32
      %mul3A_78 = arith.constant 4 : i32
      %mul3A_79 = arith.muli %scan3A_77, %mul3A_78 : i32
      %add3A_80 = arith.constant 0 : i32
      %add3A_81 = arith.addi %mul3A_79, %add3A_80 : i32
      %mul3A_82 = arith.constant 16 : i32
      %mul3A_83 = arith.muli %add3A_81, %mul3A_82 : i32
      %swap3A_84 = arith.index_cast %mul3A_83 : i32 to index
      %swap3A_85 = tpu.vector_load %arg5[%swap3A_84] {strides = array<i32>} : memref<114688xf32, #tpu.memory_space<vmem>>, vector<16xf32>,
      tpu.vector_store %arg5[%swap3A_84], %broadcast_in_dim3A_17 {strides = array<i32>} : memref<114688xf32, #tpu.memory_space<vmem>>, vector<16xf32>,
      %mul3A_86 = arith.constant 4 : i32
      %mul3A_87 = arith.muli %scan3A_77, %mul3A_86 : i32
      %add3A_88 = arith.constant 1 : i32
      %add3A_89 = arith.addi %mul3A_87, %add3A_88 : i32
      %mul3A_90 = arith.constant 16 : i32
      %mul3A_91 = arith.muli %add3A_89, %mul3A_90 : i32
      %swap3A_92 = arith.index_cast %mul3A_91 : i32 to index
      %swap3A_93 = tpu.vector_load %arg5[%swap3A_92] {strides = array<i32>} : memref<114688xf32, #tpu.memory_space<vmem>>, vector<16xf32>,
      tpu.vector_store %arg5[%swap3A_92], %broadcast_in_dim3A_17 {strides = array<i32>} : memref<114688xf32, #tpu.memory_space<vmem>>, vector<16xf32>,
      %mul3A_94 = arith.constant 4 : i32
      %mul3A_95 = arith.muli %scan3A_77, %mul3A_94 : i32
      %add3A_96 = arith.constant 2 : i32
      %add3A_97 = arith.addi %mul3A_95, %add3A_96 : i32
      %mul3A_98 = arith.constant 16 : i32
      %mul3A_99 = arith.muli %add3A_97, %mul3A_98 : i32
      %swap3A_100 = arith.index_cast %mul3A_99 : i32 to index
      %swap3A_101 = tpu.vector_load %arg5[%swap3A_100] {strides = array<i32>} : memref<114688xf32, #tpu.memory_space<vmem>>, vector<16xf32>,
      tpu.vector_store %arg5[%swap3A_100], %broadcast_in_dim3A_17 {strides = array<i32>} : memref<114688xf32, #tpu.memory_space<vmem>>, vector<16xf32>,
      %mul3A_102 = arith.constant 4 : i32
      %mul3A_103 = arith.muli %scan3A_77, %mul3A_102 : i32
      %add3A_104 = arith.constant 3 : i32
      %add3A_105 = arith.addi %mul3A_103, %add3A_104 : i32
      %mul3A_106 = arith.constant 16 : i32
      %mul3A_107 = arith.muli %add3A_105, %mul3A_106 : i32
      %swap3A_108 = arith.index_cast %mul3A_107 : i32 to index
      %swap3A_109 = tpu.vector_load %arg5[%swap3A_108] {strides = array<i32>} : memref<114688xf32, #tpu.memory_space<vmem>>, vector<16xf32>,
      tpu.vector_store %arg5[%swap3A_108], %broadcast_in_dim3A_17 {strides = array<i32>} : memref<114688xf32, #tpu.memory_space<vmem>>, vector<16xf32>,
      %scan3A_110 = arith.constant 0 : i32
      scf.yield %scan3A_110 : i32
    }
    %scan3A_23 = arith.constant 1792 : i32
    %mul3A_24 = arith.constant 120320 : i32
    %mul3A_25 = arith.muli %select_n3A, %mul3A_24 : i32
    %add3A_26 = arith.constant 0 : i32
    %add3A_27 = arith.addi %mul3A_25, %add3A_26 : i32
    %dma_start3A = arith.constant 0 : i32
    %dma_start3A_28 = tpu.memref_slice %arg2[%dma_start3A, %add3A_27] : memref<7x481280xf32, #tpu.memory_space<hbm>> -> memref<7x640xf32, #tpu.memory_space<hbm>>
    %dma_start3A_29 = arith.constant 0 : i32
    %dma_start3A_30 = tpu.memref_slice %arg2[%dma_start3A_29, %add3A_27] : memref<7x481280xf32, #tpu.memory_space<hbm>> -> memref<7x640xf32, #tpu.memory_space<hbm>>
    tpu.enqueue_dma source(%dma_start3A_30 : memref<7x640xf32, #tpu.memory_space<hbm>>) target(%arg6 : memref<7x640xf32, #tpu.memory_space<vmem>>) target_semaphore(%arg12 : memref<!tpu.dma_semaphore, #tpu.memory_space<semaphore_mem>>)
    %dma_start3A_31 = arith.constant 0 : i32
    %dma_start3A_32 = tpu.memref_slice %arg3[%dma_start3A_31, %add3A_27] : memref<1x481280xi32, #tpu.memory_space<hbm>> -> memref<1x640xi32, #tpu.memory_space<hbm>>
    %dma_start3A_33 = arith.constant 0 : i32
    %dma_start3A_34 = tpu.memref_slice %arg3[%dma_start3A_33, %add3A_27] : memref<1x481280xi32, #tpu.memory_space<hbm>> -> memref<1x640xi32, #tpu.memory_space<hbm>>
    tpu.enqueue_dma source(%dma_start3A_34 : memref<1x640xi32, #tpu.memory_space<hbm>>) target(%arg7 : memref<1x640xi32, #tpu.memory_space<vmem>>) target_semaphore(%arg12 : memref<!tpu.dma_semaphore, #tpu.memory_space<semaphore_mem>>)
    %scan3A_35 = arith.constant 0 : i32
    %scan3A_36 = arith.constant 0 : i32
    %scan3A_37 = arith.constant 94 : i32
    %scan3A_38 = arith.addi %scan3A_36, %scan3A_37 : i32
    %scan3A_39 = arith.constant 1 : i32
    %scan3A_40 = scf.for %scan3A_42 = %scan3A_36 to %scan3A_38 step %scan3A_39 iter_args(%scan3A_43 = %scan3A_35) -> (i32)  : i32 {
      %mul3A_44 = arith.constant 2 : i32
      %mul3A_45 = arith.muli %mul3A_44, %scan3A_42 : i32
      %add3A_46 = arith.constant 1 : i32
      %add3A_47 = arith.addi %mul3A_45, %add3A_46 : i32
      %mul3A_48 = arith.constant 120320 : i32
      %mul3A_49 = arith.muli %select_n3A, %mul3A_48 : i32
      %mul3A_50 = arith.constant 640 : i32
      %mul3A_51 = arith.muli %add3A_47, %mul3A_50 : i32
      %add3A_52 = arith.addi %mul3A_49, %mul3A_51 : i32
      %dma_start3A_53 = arith.constant 0 : i32
      %dma_start3A_54 = tpu.memref_slice %arg2[%dma_start3A_53, %add3A_52] : memref<7x481280xf32, #tpu.memory_space<hbm>> -> memref<7x640xf32, #tpu.memory_space<hbm>>
      %dma_start3A_55 = arith.constant 0 : i32
      %dma_start3A_56 = tpu.memref_slice %arg2[%dma_start3A_55, %add3A_52] : memref<7x481280xf32, #tpu.memory_space<hbm>> -> memref<7x640xf32, #tpu.memory_space<hbm>>
      tpu.enqueue_dma source(%dma_start3A_56 : memref<7x640xf32, #tpu.memory_space<hbm>>) target(%arg8 : memref<7x640xf32, #tpu.memory_space<vmem>>) target_semaphore(%arg13 : memref<!tpu.dma_semaphore, #tpu.memory_space<semaphore_mem>>)
      %dma_start3A_57 = arith.constant 0 : i32
      %dma_start3A_58 = tpu.memref_slice %arg3[%dma_start3A_57, %add3A_52] : memref<1x481280xi32, #tpu.memory_space<hbm>> -> memref<1x640xi32, #tpu.memory_space<hbm>>
      %dma_start3A_59 = arith.constant 0 : i32
      %dma_start3A_60 = tpu.memref_slice %arg3[%dma_start3A_59, %add3A_52] : memref<1x481280xi32, #tpu.memory_space<hbm>> -> memref<1x640xi32, #tpu.memory_space<hbm>>
      tpu.enqueue_dma source(%dma_start3A_60 : memref<1x640xi32, #tpu.memory_space<hbm>>) target(%arg9 : memref<1x640xi32, #tpu.memory_space<vmem>>) target_semaphore(%arg13 : memref<!tpu.dma_semaphore, #tpu.memory_space<semaphore_mem>>)
      %dma_wait3A = arith.constant 0 : i32
      %dma_wait3A_61 = arith.constant 0 : i32
      %dma_wait3A_62 = tpu.memref_slice %arg2[%dma_wait3A, %dma_wait3A_61] : memref<7x481280xf32, #tpu.memory_space<hbm>> -> memref<7x640xf32, #tpu.memory_space<hbm>>
      %dma_wait3A_63 = arith.constant 0 : i32
      %dma_wait3A_64 = arith.constant 0 : i32
      %dma_wait3A_65 = tpu.memref_slice %arg2[%dma_wait3A_63, %dma_wait3A_64] : memref<7x481280xf32, #tpu.memory_space<hbm>> -> memref<7x640xf32, #tpu.memory_space<hbm>>
      tpu.wait_dma2 semaphore(%arg12 : memref<!tpu.dma_semaphore, #tpu.memory_space<semaphore_mem>>) src(%dma_wait3A_65 : memref<7x640xf32, #tpu.memory_space<hbm>>) dst(%arg6 : memref<7x640xf32, #tpu.memory_space<vmem>>)
      %dma_wait3A_66 = arith.constant 0 : i32
      %dma_wait3A_67 = arith.constant 0 : i32
      %dma_wait3A_68 = tpu.memref_slice %arg3[%dma_wait3A_66, %dma_wait3A_67] : memref<1x481280xi32, #tpu.memory_space<hbm>> -> memref<1x640xi32, #tpu.memory_space<hbm>>
      %dma_wait3A_69 = arith.constant 0 : i32
      %dma_wait3A_70 = arith.constant 0 : i32
      %dma_wait3A_71 = tpu.memref_slice %arg3[%dma_wait3A_69, %dma_wait3A_70] : memref<1x481280xi32, #tpu.memory_space<hbm>> -> memref<1x640xi32, #tpu.memory_space<hbm>>
      tpu.wait_dma2 semaphore(%arg12 : memref<!tpu.dma_semaphore, #tpu.memory_space<semaphore_mem>>) src(%dma_wait3A_71 : memref<1x640xi32, #tpu.memory_space<hbm>>) dst(%arg7 : memref<1x640xi32, #tpu.memory_space<vmem>>)
      %iota3A = tpu.iota {dimensions = array<i32: 0>} : vector<16xi32>
      %scan3A_72 = arith.constant 0 : i32
      %scan3A_73 = arith.constant 0 : i32
      %scan3A_74 = arith.constant 0 : i32
      %scan3A_75 = arith.constant 20 : i32
      %scan3A_76 = arith.addi %scan3A_74, %scan3A_75 : i32
      %scan3A_77 = arith.constant 2 : i32
      %scan3A_78:2 = scf.for %scan3A_257 = %scan3A_74 to %scan3A_76 step %scan3A_77 iter_args(%scan3A_258 = %scan3A_72, %scan3A_259 = %scan3A_73) -> (i32, i32)  : i32 {
        %mul3A_260 = arith.constant 16 : i32
        %mul3A_261 = arith.muli %scan3A_257, %mul3A_260 : i32
        %get3A = arith.constant 0 : i32
        %get3A_262 = arith.index_cast %get3A : i32 to index
        %get3A_263 = arith.index_cast %mul3A_261 : i32 to index
        %get3A_264 = tpu.vector_load %arg7[%get3A_262, %get3A_263] {strides = array<i32>} : memref<1x640xi32, #tpu.memory_space<vmem>>, vector<16xi32>,
        %shift_right_arithmetic3A = arith.constant 14 : i32
        %shift_right_arithmetic3A_265 = vector.broadcast %shift_right_arithmetic3A : i32 to vector<16xi32>
        %shift_right_arithmetic3A_266 = arith.shrsi %get3A_264, %shift_right_arithmetic3A_265 : vector<16xi32>
        %eq3A = vector.broadcast %add3A : i32 to vector<16xi32>
        %eq3A_267 = arith.cmpi eq, %shift_right_arithmetic3A_266, %eq3A : vector<16xi32>
        %and3A_268 = arith.constant 16383 : i32
        %and3A_269 = vector.broadcast %and3A_268 : i32 to vector<16xi32>
        %and3A_270 = arith.andi %get3A_264, %and3A_269 : vector<16xi32>
        %add3A_271 = vector.broadcast %mul3A_261 : i32 to vector<16xi32>
        %add3A_272 = arith.addi %iota3A, %add3A_271 : vector<16xi32>
        %shift_left3A = arith.constant 14 : i32
        %shift_left3A_273 = vector.broadcast %shift_left3A : i32 to vector<16xi32>
        %shift_left3A_274 = arith.shli %add3A_272, %shift_left3A_273 : vector<16xi32>
        %or3A = arith.ori %and3A_270, %shift_left3A_274 : vector<16xi32>
        %swap3A = arith.index_cast %scan3A_258 : i32 to index
        %swap3A_275 = tpu.vector_load %arg10[%swap3A] masked %eq3A_267 {strides = array<i32>} : memref<336xi32, #tpu.memory_space<vmem>>, vector<16xi32>, vector<16xi1>
        tpu.vector_store %arg10[%swap3A], %or3A masked %eq3A_267 {strides = array<i32>} : memref<336xi32, #tpu.memory_space<vmem>>, vector<16xi32>, vector<16xi1>
        %convert_element_type3A_276 = arith.extui %eq3A_267 : vector<16xi1> to vector<16xi32>
        %reduce_sum3A = arith.constant true
        %reduce_sum3A_277 = vector.broadcast %reduce_sum3A : i1 to vector<16xi1>
        %reduce_sum3A_278 = tpu.scan <sum>, %convert_element_type3A_276 masked %reduce_sum3A_277 : vector<16xi32>, vector<16xi1> -> vector<16xi32>
        %reduce_sum3A_279 = vector.extract %reduce_sum3A_278[15] : i32 from vector<16xi32>
        %add3A_280 = arith.addi %scan3A_258, %reduce_sum3A_279 : i32
        %add3A_281 = arith.constant 20 : i32
        %add3A_282 = arith.addi %scan3A_257, %add3A_281 : i32
        %mul3A_283 = arith.constant 16 : i32
        %mul3A_284 = arith.muli %add3A_282, %mul3A_283 : i32
        %get3A_285 = arith.constant 0 : i32
        %get3A_286 = arith.index_cast %get3A_285 : i32 to index
        %get3A_287 = arith.index_cast %mul3A_284 : i32 to index
        %get3A_288 = tpu.vector_load %arg7[%get3A_286, %get3A_287] {strides = array<i32>} : memref<1x640xi32, #tpu.memory_space<vmem>>, vector<16xi32>,
        %shift_right_arithmetic3A_289 = arith.constant 14 : i32
        %shift_right_arithmetic3A_290 = vector.broadcast %shift_right_arithmetic3A_289 : i32 to vector<16xi32>
        %shift_right_arithmetic3A_291 = arith.shrsi %get3A_288, %shift_right_arithmetic3A_290 : vector<16xi32>
        %eq3A_292 = vector.broadcast %add3A : i32 to vector<16xi32>
        %eq3A_293 = arith.cmpi eq, %shift_right_arithmetic3A_291, %eq3A_292 : vector<16xi32>
        %and3A_294 = arith.constant 16383 : i32
        %and3A_295 = vector.broadcast %and3A_294 : i32 to vector<16xi32>
        %and3A_296 = arith.andi %get3A_288, %and3A_295 : vector<16xi32>
        %add3A_297 = vector.broadcast %mul3A_284 : i32 to vector<16xi32>
        %add3A_298 = arith.addi %iota3A, %add3A_297 : vector<16xi32>
        %shift_left3A_299 = arith.constant 14 : i32
        %shift_left3A_300 = vector.broadcast %shift_left3A_299 : i32 to vector<16xi32>
        %shift_left3A_301 = arith.shli %add3A_298, %shift_left3A_300 : vector<16xi32>
        %or3A_302 = arith.ori %and3A_296, %shift_left3A_301 : vector<16xi32>
        %swap3A_303 = arith.index_cast %scan3A_259 : i32 to index
        %swap3A_304 = tpu.vector_load %arg11[%swap3A_303] masked %eq3A_293 {strides = array<i32>} : memref<336xi32, #tpu.memory_space<vmem>>, vector<16xi32>, vector<16xi1>
        tpu.vector_store %arg11[%swap3A_303], %or3A_302 masked %eq3A_293 {strides = array<i32>} : memref<336xi32, #tpu.memory_space<vmem>>, vector<16xi32>, vector<16xi1>
        %convert_element_type3A_305 = arith.extui %eq3A_293 : vector<16xi1> to vector<16xi32>
        %reduce_sum3A_306 = arith.constant true
        %reduce_sum3A_307 = vector.broadcast %reduce_sum3A_306 : i1 to vector<16xi1>
        %reduce_sum3A_308 = tpu.scan <sum>, %convert_element_type3A_305 masked %reduce_sum3A_307 : vector<16xi32>, vector<16xi1> -> vector<16xi32>
        %reduce_sum3A_309 = vector.extract %reduce_sum3A_308[15] : i32 from vector<16xi32>
        %add3A_310 = arith.addi %scan3A_259, %reduce_sum3A_309 : i32
        %scan3A_311 = arith.constant 1 : i32
        %scan3A_312 = arith.addi %scan3A_257, %scan3A_311 : i32
        %mul3A_313 = arith.constant 16 : i32
        %mul3A_314 = arith.muli %scan3A_312, %mul3A_313 : i32
        %get3A_315 = arith.constant 0 : i32
        %get3A_316 = arith.index_cast %get3A_315 : i32 to index
        %get3A_317 = arith.index_cast %mul3A_314 : i32 to index
        %get3A_318 = tpu.vector_load %arg7[%get3A_316, %get3A_317] {strides = array<i32>} : memref<1x640xi32, #tpu.memory_space<vmem>>, vector<16xi32>,
        %shift_right_arithmetic3A_319 = arith.constant 14 : i32
        %shift_right_arithmetic3A_320 = vector.broadcast %shift_right_arithmetic3A_319 : i32 to vector<16xi32>
        %shift_right_arithmetic3A_321 = arith.shrsi %get3A_318, %shift_right_arithmetic3A_320 : vector<16xi32>
        %eq3A_322 = vector.broadcast %add3A : i32 to vector<16xi32>
        %eq3A_323 = arith.cmpi eq, %shift_right_arithmetic3A_321, %eq3A_322 : vector<16xi32>
        %and3A_324 = arith.constant 16383 : i32
        %and3A_325 = vector.broadcast %and3A_324 : i32 to vector<16xi32>
        %and3A_326 = arith.andi %get3A_318, %and3A_325 : vector<16xi32>
        %add3A_327 = vector.broadcast %mul3A_314 : i32 to vector<16xi32>
        %add3A_328 = arith.addi %iota3A, %add3A_327 : vector<16xi32>
        %shift_left3A_329 = arith.constant 14 : i32
        %shift_left3A_330 = vector.broadcast %shift_left3A_329 : i32 to vector<16xi32>
        %shift_left3A_331 = arith.shli %add3A_328, %shift_left3A_330 : vector<16xi32>
        %or3A_332 = arith.ori %and3A_326, %shift_left3A_331 : vector<16xi32>
        %swap3A_333 = arith.index_cast %add3A_280 : i32 to index
        %swap3A_334 = tpu.vector_load %arg10[%swap3A_333] masked %eq3A_323 {strides = array<i32>} : memref<336xi32, #tpu.memory_space<vmem>>, vector<16xi32>, vector<16xi1>
        tpu.vector_store %arg10[%swap3A_333], %or3A_332 masked %eq3A_323 {strides = array<i32>} : memref<336xi32, #tpu.memory_space<vmem>>, vector<16xi32>, vector<16xi1>
        %convert_element_type3A_335 = arith.extui %eq3A_323 : vector<16xi1> to vector<16xi32>
        %reduce_sum3A_336 = arith.constant true
        %reduce_sum3A_337 = vector.broadcast %reduce_sum3A_336 : i1 to vector<16xi1>
        %reduce_sum3A_338 = tpu.scan <sum>, %convert_element_type3A_335 masked %reduce_sum3A_337 : vector<16xi32>, vector<16xi1> -> vector<16xi32>
        %reduce_sum3A_339 = vector.extract %reduce_sum3A_338[15] : i32 from vector<16xi32>
        %add3A_340 = arith.addi %add3A_280, %reduce_sum3A_339 : i32
        %add3A_341 = arith.constant 20 : i32
        %add3A_342 = arith.addi %scan3A_312, %add3A_341 : i32
        %mul3A_343 = arith.constant 16 : i32
        %mul3A_344 = arith.muli %add3A_342, %mul3A_343 : i32
        %get3A_345 = arith.constant 0 : i32
        %get3A_346 = arith.index_cast %get3A_345 : i32 to index
        %get3A_347 = arith.index_cast %mul3A_344 : i32 to index
        %get3A_348 = tpu.vector_load %arg7[%get3A_346, %get3A_347] {strides = array<i32>} : memref<1x640xi32, #tpu.memory_space<vmem>>, vector<16xi32>,
        %shift_right_arithmetic3A_349 = arith.constant 14 : i32
        %shift_right_arithmetic3A_350 = vector.broadcast %shift_right_arithmetic3A_349 : i32 to vector<16xi32>
        %shift_right_arithmetic3A_351 = arith.shrsi %get3A_348, %shift_right_arithmetic3A_350 : vector<16xi32>
        %eq3A_352 = vector.broadcast %add3A : i32 to vector<16xi32>
        %eq3A_353 = arith.cmpi eq, %shift_right_arithmetic3A_351, %eq3A_352 : vector<16xi32>
        %and3A_354 = arith.constant 16383 : i32
        %and3A_355 = vector.broadcast %and3A_354 : i32 to vector<16xi32>
        %and3A_356 = arith.andi %get3A_348, %and3A_355 : vector<16xi32>
        %add3A_357 = vector.broadcast %mul3A_344 : i32 to vector<16xi32>
        %add3A_358 = arith.addi %iota3A, %add3A_357 : vector<16xi32>
        %shift_left3A_359 = arith.constant 14 : i32
        %shift_left3A_360 = vector.broadcast %shift_left3A_359 : i32 to vector<16xi32>
        %shift_left3A_361 = arith.shli %add3A_358, %shift_left3A_360 : vector<16xi32>
        %or3A_362 = arith.ori %and3A_356, %shift_left3A_361 : vector<16xi32>
        %swap3A_363 = arith.index_cast %add3A_310 : i32 to index
        %swap3A_364 = tpu.vector_load %arg11[%swap3A_363] masked %eq3A_353 {strides = array<i32>} : memref<336xi32, #tpu.memory_space<vmem>>, vector<16xi32>, vector<16xi1>
        tpu.vector_store %arg11[%swap3A_363], %or3A_362 masked %eq3A_353 {strides = array<i32>} : memref<336xi32, #tpu.memory_space<vmem>>, vector<16xi32>, vector<16xi1>
        %convert_element_type3A_365 = arith.extui %eq3A_353 : vector<16xi1> to vector<16xi32>
        %reduce_sum3A_366 = arith.constant true
        %reduce_sum3A_367 = vector.broadcast %reduce_sum3A_366 : i1 to vector<16xi1>
        %reduce_sum3A_368 = tpu.scan <sum>, %convert_element_type3A_365 masked %reduce_sum3A_367 : vector<16xi32>, vector<16xi1> -> vector<16xi32>
        %reduce_sum3A_369 = vector.extract %reduce_sum3A_368[15] : i32 from vector<16xi32>
        %add3A_370 = arith.addi %add3A_310, %reduce_sum3A_369 : i32
        scf.yield %add3A_340, %add3A_370 : i32, i32
      }
      %scan3A_79 = arith.constant 20 : i32
      %add3A_80 = arith.constant 15 : i32
      %add3A_81 = arith.addi %scan3A_78#0, %add3A_80 : i32
      %jit3A_82 = arith.constant 16 : i32
      %div3A_83 = arith.divsi %add3A_81, %jit3A_82 : i32
      %sign3A_84 = arith.constant 0 : i32
      %sign3A_85 = arith.cmpi sgt, %add3A_81, %sign3A_84 : i32
      %sign3A_86 = arith.extui %sign3A_85 : i1 to i32
      %sign3A_87 = arith.constant 0 : i32
      %sign3A_88 = arith.cmpi slt, %add3A_81, %sign3A_87 : i32
      %sign3A_89 = arith.extui %sign3A_88 : i1 to i32
      %sign3A_90 = arith.subi %sign3A_86, %sign3A_89 : i32
      %sign3A_91 = arith.constant 0 : i32
      %sign3A_92 = arith.cmpi sgt, %jit3A_82, %sign3A_91 : i32
      %sign3A_93 = arith.extui %sign3A_92 : i1 to i32
      %sign3A_94 = arith.constant 0 : i32
      %sign3A_95 = arith.cmpi slt, %jit3A_82, %sign3A_94 : i32
      %sign3A_96 = arith.extui %sign3A_95 : i1 to i32
      %sign3A_97 = arith.subi %sign3A_93, %sign3A_96 : i32
      %ne3A_98 = arith.cmpi ne, %sign3A_90, %sign3A_97 : i32
      %rem3A_99 = arith.remsi %add3A_81, %jit3A_82 : i32
      %ne3A_100 = arith.constant 0 : i32
      %ne3A_101 = arith.cmpi ne, %rem3A_99, %ne3A_100 : i32
      %and3A_102 = arith.andi %ne3A_98, %ne3A_101 : i1
      %sub3A_103 = arith.constant 1 : i32
      %sub3A_104 = arith.subi %div3A_83, %sub3A_103 : i32
      %select_n3A_105 = arith.select %and3A_102, %sub3A_104, %div3A_83 : i32
      %while3A = arith.constant 0 : i32
      %while3A_106 = arith.constant 0 : i32
      %while3A_107 = arith.subi %select_n3A_105, %while3A : i32
      %while3A_108 = arith.addi %while3A, %while3A_107 : i32
      %while3A_109 = arith.constant 1 : i32
      %while3A_110 = arith.divsi %while3A_107, %while3A_109 : i32
      %while3A_111 = arith.muli %while3A_110, %while3A_109 : i32
      %while3A_112 = arith.addi %while3A, %while3A_111 : i32
      %while3A_113 = arith.constant 1 : i32
      %while3A_114 = scf.for %while3A_257 = %while3A to %while3A_112 step %while3A_113 iter_args(%while3A_258 = %while3A_106) -> (i32)  : i32 {
        %mul3A_259 = arith.constant 16 : i32
        %mul3A_260 = arith.muli %while3A_257, %mul3A_259 : i32
        %get3A = arith.index_cast %mul3A_260 : i32 to index
        %get3A_261 = tpu.vector_load %arg10[%get3A] {strides = array<i32>} : memref<336xi32, #tpu.memory_space<vmem>>, vector<16xi32>,
        %shift_right_logical3A = arith.constant 14 : i32
        %shift_right_logical3A_262 = vector.broadcast %shift_right_logical3A : i32 to vector<16xi32>
        %shift_right_logical3A_263 = arith.shrui %get3A_261, %shift_right_logical3A_262 : vector<16xi32>
        %and3A_264 = arith.constant 16383 : i32
        %and3A_265 = vector.broadcast %and3A_264 : i32 to vector<16xi32>
        %and3A_266 = arith.andi %get3A_261, %and3A_265 : vector<16xi32>
        %add3A_267 = vector.broadcast %mul3A_260 : i32 to vector<16xi32>
        %add3A_268 = arith.addi %iota3A, %add3A_267 : vector<16xi32>
        %lt3A_269 = vector.broadcast %scan3A_78#0 : i32 to vector<16xi32>
        %lt3A_270 = arith.cmpi slt, %add3A_268, %lt3A_269 : vector<16xi32>
        %broadcast_in_dim3A_271 = arith.constant 0 : i32
        %broadcast_in_dim3A_272 = vector.broadcast %broadcast_in_dim3A_271 : i32 to vector<16xi32>
        %gather3A = tpu.vector_load_idx %arg6[%broadcast_in_dim3A_272, %shift_right_logical3A_263] masked %lt3A_270 : memref<7x640xf32, #tpu.memory_space<vmem>>[vector<16xi32>, vector<16xi32>], vector<16xf32>, vector<16xi1>
        %add3A_273 = arith.constant 0 : i32
        %add3A_274 = vector.broadcast %add3A_273 : i32 to vector<16xi32>
        %add3A_275 = arith.addi %and3A_266, %add3A_274 : vector<16xi32>
        tpu.vector_store_idx %arg5[%add3A_275], %gather3A masked %lt3A_270 : memref<114688xf32, #tpu.memory_space<vmem>>[vector<16xi32>], vector<16xf32>, vector<16xi1>
        %broadcast_in_dim3A_276 = arith.constant 1 : i32
        %broadcast_in_dim3A_277 = vector.broadcast %broadcast_in_dim3A_276 : i32 to vector<16xi32>
        %gather3A_278 = tpu.vector_load_idx %arg6[%broadcast_in_dim3A_277, %shift_right_logical3A_263] masked %lt3A_270 : memref<7x640xf32, #tpu.memory_space<vmem>>[vector<16xi32>, vector<16xi32>], vector<16xf32>, vector<16xi1>
        %add3A_279 = arith.constant 16384 : i32
        %add3A_280 = vector.broadcast %add3A_279 : i32 to vector<16xi32>
        %add3A_281 = arith.addi %and3A_266, %add3A_280 : vector<16xi32>
        tpu.vector_store_idx %arg5[%add3A_281], %gather3A_278 masked %lt3A_270 : memref<114688xf32, #tpu.memory_space<vmem>>[vector<16xi32>], vector<16xf32>, vector<16xi1>
        %broadcast_in_dim3A_282 = arith.constant 2 : i32
        %broadcast_in_dim3A_283 = vector.broadcast %broadcast_in_dim3A_282 : i32 to vector<16xi32>
        %gather3A_284 = tpu.vector_load_idx %arg6[%broadcast_in_dim3A_283, %shift_right_logical3A_263] masked %lt3A_270 : memref<7x640xf32, #tpu.memory_space<vmem>>[vector<16xi32>, vector<16xi32>], vector<16xf32>, vector<16xi1>
        %add3A_285 = arith.constant 32768 : i32
        %add3A_286 = vector.broadcast %add3A_285 : i32 to vector<16xi32>
        %add3A_287 = arith.addi %and3A_266, %add3A_286 : vector<16xi32>
        tpu.vector_store_idx %arg5[%add3A_287], %gather3A_284 masked %lt3A_270 : memref<114688xf32, #tpu.memory_space<vmem>>[vector<16xi32>], vector<16xf32>, vector<16xi1>
        %broadcast_in_dim3A_288 = arith.constant 3 : i32
        %broadcast_in_dim3A_289 = vector.broadcast %broadcast_in_dim3A_288 : i32 to vector<16xi32>
        %gather3A_290 = tpu.vector_load_idx %arg6[%broadcast_in_dim3A_289, %shift_right_logical3A_263] masked %lt3A_270 : memref<7x640xf32, #tpu.memory_space<vmem>>[vector<16xi32>, vector<16xi32>], vector<16xf32>, vector<16xi1>
        %add3A_291 = arith.constant 49152 : i32
        %add3A_292 = vector.broadcast %add3A_291 : i32 to vector<16xi32>
        %add3A_293 = arith.addi %and3A_266, %add3A_292 : vector<16xi32>
        tpu.vector_store_idx %arg5[%add3A_293], %gather3A_290 masked %lt3A_270 : memref<114688xf32, #tpu.memory_space<vmem>>[vector<16xi32>], vector<16xf32>, vector<16xi1>
        %broadcast_in_dim3A_294 = arith.constant 4 : i32
        %broadcast_in_dim3A_295 = vector.broadcast %broadcast_in_dim3A_294 : i32 to vector<16xi32>
        %gather3A_296 = tpu.vector_load_idx %arg6[%broadcast_in_dim3A_295, %shift_right_logical3A_263] masked %lt3A_270 : memref<7x640xf32, #tpu.memory_space<vmem>>[vector<16xi32>, vector<16xi32>], vector<16xf32>, vector<16xi1>
        %add3A_297 = arith.constant 65536 : i32
        %add3A_298 = vector.broadcast %add3A_297 : i32 to vector<16xi32>
        %add3A_299 = arith.addi %and3A_266, %add3A_298 : vector<16xi32>
        tpu.vector_store_idx %arg5[%add3A_299], %gather3A_296 masked %lt3A_270 : memref<114688xf32, #tpu.memory_space<vmem>>[vector<16xi32>], vector<16xf32>, vector<16xi1>
        %broadcast_in_dim3A_300 = arith.constant 5 : i32
        %broadcast_in_dim3A_301 = vector.broadcast %broadcast_in_dim3A_300 : i32 to vector<16xi32>
        %gather3A_302 = tpu.vector_load_idx %arg6[%broadcast_in_dim3A_301, %shift_right_logical3A_263] masked %lt3A_270 : memref<7x640xf32, #tpu.memory_space<vmem>>[vector<16xi32>, vector<16xi32>], vector<16xf32>, vector<16xi1>
        %add3A_303 = arith.constant 81920 : i32
        %add3A_304 = vector.broadcast %add3A_303 : i32 to vector<16xi32>
        %add3A_305 = arith.addi %and3A_266, %add3A_304 : vector<16xi32>
        tpu.vector_store_idx %arg5[%add3A_305], %gather3A_302 masked %lt3A_270 : memref<114688xf32, #tpu.memory_space<vmem>>[vector<16xi32>], vector<16xf32>, vector<16xi1>
        %broadcast_in_dim3A_306 = arith.constant 6 : i32
        %broadcast_in_dim3A_307 = vector.broadcast %broadcast_in_dim3A_306 : i32 to vector<16xi32>
        %gather3A_308 = tpu.vector_load_idx %arg6[%broadcast_in_dim3A_307, %shift_right_logical3A_263] masked %lt3A_270 : memref<7x640xf32, #tpu.memory_space<vmem>>[vector<16xi32>, vector<16xi32>], vector<16xf32>, vector<16xi1>
        %add3A_309 = arith.constant 98304 : i32
        %add3A_310 = vector.broadcast %add3A_309 : i32 to vector<16xi32>
        %add3A_311 = arith.addi %and3A_266, %add3A_310 : vector<16xi32>
        tpu.vector_store_idx %arg5[%add3A_311], %gather3A_308 masked %lt3A_270 : memref<114688xf32, #tpu.memory_space<vmem>>[vector<16xi32>], vector<16xf32>, vector<16xi1>
        %while3A_312 = arith.constant 0 : i32
        scf.yield %while3A_312 : i32
      }
      %while3A_115 = arith.constant 1 : i32
      %while3A_116 = scf.for %while3A_257 = %while3A_112 to %while3A_108 step %while3A_115 iter_args(%while3A_258 = %while3A_114) -> (i32)  : i32 {
        %mul3A_259 = arith.constant 16 : i32
        %mul3A_260 = arith.muli %while3A_257, %mul3A_259 : i32
        %get3A = arith.index_cast %mul3A_260 : i32 to index
        %get3A_261 = tpu.vector_load %arg10[%get3A] {strides = array<i32>} : memref<336xi32, #tpu.memory_space<vmem>>, vector<16xi32>,
        %shift_right_logical3A = arith.constant 14 : i32
        %shift_right_logical3A_262 = vector.broadcast %shift_right_logical3A : i32 to vector<16xi32>
        %shift_right_logical3A_263 = arith.shrui %get3A_261, %shift_right_logical3A_262 : vector<16xi32>
        %and3A_264 = arith.constant 16383 : i32
        %and3A_265 = vector.broadcast %and3A_264 : i32 to vector<16xi32>
        %and3A_266 = arith.andi %get3A_261, %and3A_265 : vector<16xi32>
        %add3A_267 = vector.broadcast %mul3A_260 : i32 to vector<16xi32>
        %add3A_268 = arith.addi %iota3A, %add3A_267 : vector<16xi32>
        %lt3A_269 = vector.broadcast %scan3A_78#0 : i32 to vector<16xi32>
        %lt3A_270 = arith.cmpi slt, %add3A_268, %lt3A_269 : vector<16xi32>
        %broadcast_in_dim3A_271 = arith.constant 0 : i32
        %broadcast_in_dim3A_272 = vector.broadcast %broadcast_in_dim3A_271 : i32 to vector<16xi32>
        %gather3A = tpu.vector_load_idx %arg6[%broadcast_in_dim3A_272, %shift_right_logical3A_263] masked %lt3A_270 : memref<7x640xf32, #tpu.memory_space<vmem>>[vector<16xi32>, vector<16xi32>], vector<16xf32>, vector<16xi1>
        %add3A_273 = arith.constant 0 : i32
        %add3A_274 = vector.broadcast %add3A_273 : i32 to vector<16xi32>
        %add3A_275 = arith.addi %and3A_266, %add3A_274 : vector<16xi32>
        tpu.vector_store_idx %arg5[%add3A_275], %gather3A masked %lt3A_270 : memref<114688xf32, #tpu.memory_space<vmem>>[vector<16xi32>], vector<16xf32>, vector<16xi1>
        %broadcast_in_dim3A_276 = arith.constant 1 : i32
        %broadcast_in_dim3A_277 = vector.broadcast %broadcast_in_dim3A_276 : i32 to vector<16xi32>
        %gather3A_278 = tpu.vector_load_idx %arg6[%broadcast_in_dim3A_277, %shift_right_logical3A_263] masked %lt3A_270 : memref<7x640xf32, #tpu.memory_space<vmem>>[vector<16xi32>, vector<16xi32>], vector<16xf32>, vector<16xi1>
        %add3A_279 = arith.constant 16384 : i32
        %add3A_280 = vector.broadcast %add3A_279 : i32 to vector<16xi32>
        %add3A_281 = arith.addi %and3A_266, %add3A_280 : vector<16xi32>
        tpu.vector_store_idx %arg5[%add3A_281], %gather3A_278 masked %lt3A_270 : memref<114688xf32, #tpu.memory_space<vmem>>[vector<16xi32>], vector<16xf32>, vector<16xi1>
        %broadcast_in_dim3A_282 = arith.constant 2 : i32
        %broadcast_in_dim3A_283 = vector.broadcast %broadcast_in_dim3A_282 : i32 to vector<16xi32>
        %gather3A_284 = tpu.vector_load_idx %arg6[%broadcast_in_dim3A_283, %shift_right_logical3A_263] masked %lt3A_270 : memref<7x640xf32, #tpu.memory_space<vmem>>[vector<16xi32>, vector<16xi32>], vector<16xf32>, vector<16xi1>
        %add3A_285 = arith.constant 32768 : i32
        %add3A_286 = vector.broadcast %add3A_285 : i32 to vector<16xi32>
        %add3A_287 = arith.addi %and3A_266, %add3A_286 : vector<16xi32>
        tpu.vector_store_idx %arg5[%add3A_287], %gather3A_284 masked %lt3A_270 : memref<114688xf32, #tpu.memory_space<vmem>>[vector<16xi32>], vector<16xf32>, vector<16xi1>
        %broadcast_in_dim3A_288 = arith.constant 3 : i32
        %broadcast_in_dim3A_289 = vector.broadcast %broadcast_in_dim3A_288 : i32 to vector<16xi32>
        %gather3A_290 = tpu.vector_load_idx %arg6[%broadcast_in_dim3A_289, %shift_right_logical3A_263] masked %lt3A_270 : memref<7x640xf32, #tpu.memory_space<vmem>>[vector<16xi32>, vector<16xi32>], vector<16xf32>, vector<16xi1>
        %add3A_291 = arith.constant 49152 : i32
        %add3A_292 = vector.broadcast %add3A_291 : i32 to vector<16xi32>
        %add3A_293 = arith.addi %and3A_266, %add3A_292 : vector<16xi32>
        tpu.vector_store_idx %arg5[%add3A_293], %gather3A_290 masked %lt3A_270 : memref<114688xf32, #tpu.memory_space<vmem>>[vector<16xi32>], vector<16xf32>, vector<16xi1>
        %broadcast_in_dim3A_294 = arith.constant 4 : i32
        %broadcast_in_dim3A_295 = vector.broadcast %broadcast_in_dim3A_294 : i32 to vector<16xi32>
        %gather3A_296 = tpu.vector_load_idx %arg6[%broadcast_in_dim3A_295, %shift_right_logical3A_263] masked %lt3A_270 : memref<7x640xf32, #tpu.memory_space<vmem>>[vector<16xi32>, vector<16xi32>], vector<16xf32>, vector<16xi1>
        %add3A_297 = arith.constant 65536 : i32
        %add3A_298 = vector.broadcast %add3A_297 : i32 to vector<16xi32>
        %add3A_299 = arith.addi %and3A_266, %add3A_298 : vector<16xi32>
        tpu.vector_store_idx %arg5[%add3A_299], %gather3A_296 masked %lt3A_270 : memref<114688xf32, #tpu.memory_space<vmem>>[vector<16xi32>], vector<16xf32>, vector<16xi1>
        %broadcast_in_dim3A_300 = arith.constant 5 : i32
        %broadcast_in_dim3A_301 = vector.broadcast %broadcast_in_dim3A_300 : i32 to vector<16xi32>
        %gather3A_302 = tpu.vector_load_idx %arg6[%broadcast_in_dim3A_301, %shift_right_logical3A_263] masked %lt3A_270 : memref<7x640xf32, #tpu.memory_space<vmem>>[vector<16xi32>, vector<16xi32>], vector<16xf32>, vector<16xi1>
        %add3A_303 = arith.constant 81920 : i32
        %add3A_304 = vector.broadcast %add3A_303 : i32 to vector<16xi32>
        %add3A_305 = arith.addi %and3A_266, %add3A_304 : vector<16xi32>
        tpu.vector_store_idx %arg5[%add3A_305], %gather3A_302 masked %lt3A_270 : memref<114688xf32, #tpu.memory_space<vmem>>[vector<16xi32>], vector<16xf32>, vector<16xi1>
        %broadcast_in_dim3A_306 = arith.constant 6 : i32
        %broadcast_in_dim3A_307 = vector.broadcast %broadcast_in_dim3A_306 : i32 to vector<16xi32>
        %gather3A_308 = tpu.vector_load_idx %arg6[%broadcast_in_dim3A_307, %shift_right_logical3A_263] masked %lt3A_270 : memref<7x640xf32, #tpu.memory_space<vmem>>[vector<16xi32>, vector<16xi32>], vector<16xf32>, vector<16xi1>
        %add3A_309 = arith.constant 98304 : i32
        %add3A_310 = vector.broadcast %add3A_309 : i32 to vector<16xi32>
        %add3A_311 = arith.addi %and3A_266, %add3A_310 : vector<16xi32>
        tpu.vector_store_idx %arg5[%add3A_311], %gather3A_308 masked %lt3A_270 : memref<114688xf32, #tpu.memory_space<vmem>>[vector<16xi32>], vector<16xf32>, vector<16xi1>
        %while3A_312 = arith.constant 0 : i32
        scf.yield %while3A_312 : i32
      }
      %add3A_117 = arith.constant 15 : i32
      %add3A_118 = arith.addi %scan3A_78#1, %add3A_117 : i32
      %jit3A_119 = arith.constant 16 : i32
      %div3A_120 = arith.divsi %add3A_118, %jit3A_119 : i32
      %sign3A_121 = arith.constant 0 : i32
      %sign3A_122 = arith.cmpi sgt, %add3A_118, %sign3A_121 : i32
      %sign3A_123 = arith.extui %sign3A_122 : i1 to i32
      %sign3A_124 = arith.constant 0 : i32
      %sign3A_125 = arith.cmpi slt, %add3A_118, %sign3A_124 : i32
      %sign3A_126 = arith.extui %sign3A_125 : i1 to i32
      %sign3A_127 = arith.subi %sign3A_123, %sign3A_126 : i32
      %sign3A_128 = arith.constant 0 : i32
      %sign3A_129 = arith.cmpi sgt, %jit3A_119, %sign3A_128 : i32
      %sign3A_130 = arith.extui %sign3A_129 : i1 to i32
      %sign3A_131 = arith.constant 0 : i32
      %sign3A_132 = arith.cmpi slt, %jit3A_119, %sign3A_131 : i32
      %sign3A_133 = arith.extui %sign3A_132 : i1 to i32
      %sign3A_134 = arith.subi %sign3A_130, %sign3A_133 : i32
      %ne3A_135 = arith.cmpi ne, %sign3A_127, %sign3A_134 : i32
      %rem3A_136 = arith.remsi %add3A_118, %jit3A_119 : i32
      %ne3A_137 = arith.constant 0 : i32
      %ne3A_138 = arith.cmpi ne, %rem3A_136, %ne3A_137 : i32
      %and3A_139 = arith.andi %ne3A_135, %ne3A_138 : i1
      %sub3A_140 = arith.constant 1 : i32
      %sub3A_141 = arith.subi %div3A_120, %sub3A_140 : i32
      %select_n3A_142 = arith.select %and3A_139, %sub3A_141, %div3A_120 : i32
      %while3A_143 = arith.constant 0 : i32
      %while3A_144 = arith.constant 0 : i32
      %while3A_145 = arith.subi %select_n3A_142, %while3A_143 : i32
      %while3A_146 = arith.addi %while3A_143, %while3A_145 : i32
      %while3A_147 = arith.constant 1 : i32
      %while3A_148 = arith.divsi %while3A_145, %while3A_147 : i32
      %while3A_149 = arith.muli %while3A_148, %while3A_147 : i32
      %while3A_150 = arith.addi %while3A_143, %while3A_149 : i32
      %while3A_151 = arith.constant 1 : i32
      %while3A_152 = scf.for %while3A_257 = %while3A_143 to %while3A_150 step %while3A_151 iter_args(%while3A_258 = %while3A_144) -> (i32)  : i32 {
        %mul3A_259 = arith.constant 16 : i32
        %mul3A_260 = arith.muli %while3A_257, %mul3A_259 : i32
        %get3A = arith.index_cast %mul3A_260 : i32 to index
        %get3A_261 = tpu.vector_load %arg11[%get3A] {strides = array<i32>} : memref<336xi32, #tpu.memory_space<vmem>>, vector<16xi32>,
        %shift_right_logical3A = arith.constant 14 : i32
        %shift_right_logical3A_262 = vector.broadcast %shift_right_logical3A : i32 to vector<16xi32>
        %shift_right_logical3A_263 = arith.shrui %get3A_261, %shift_right_logical3A_262 : vector<16xi32>
        %and3A_264 = arith.constant 16383 : i32
        %and3A_265 = vector.broadcast %and3A_264 : i32 to vector<16xi32>
        %and3A_266 = arith.andi %get3A_261, %and3A_265 : vector<16xi32>
        %add3A_267 = vector.broadcast %mul3A_260 : i32 to vector<16xi32>
        %add3A_268 = arith.addi %iota3A, %add3A_267 : vector<16xi32>
        %lt3A_269 = vector.broadcast %scan3A_78#1 : i32 to vector<16xi32>
        %lt3A_270 = arith.cmpi slt, %add3A_268, %lt3A_269 : vector<16xi32>
        %broadcast_in_dim3A_271 = arith.constant 0 : i32
        %broadcast_in_dim3A_272 = vector.broadcast %broadcast_in_dim3A_271 : i32 to vector<16xi32>
        %gather3A = tpu.vector_load_idx %arg6[%broadcast_in_dim3A_272, %shift_right_logical3A_263] masked %lt3A_270 : memref<7x640xf32, #tpu.memory_space<vmem>>[vector<16xi32>, vector<16xi32>], vector<16xf32>, vector<16xi1>
        %add3A_273 = arith.constant 0 : i32
        %add3A_274 = vector.broadcast %add3A_273 : i32 to vector<16xi32>
        %add3A_275 = arith.addi %and3A_266, %add3A_274 : vector<16xi32>
        tpu.vector_store_idx %arg5[%add3A_275], %gather3A masked %lt3A_270 : memref<114688xf32, #tpu.memory_space<vmem>>[vector<16xi32>], vector<16xf32>, vector<16xi1>
        %broadcast_in_dim3A_276 = arith.constant 1 : i32
        %broadcast_in_dim3A_277 = vector.broadcast %broadcast_in_dim3A_276 : i32 to vector<16xi32>
        %gather3A_278 = tpu.vector_load_idx %arg6[%broadcast_in_dim3A_277, %shift_right_logical3A_263] masked %lt3A_270 : memref<7x640xf32, #tpu.memory_space<vmem>>[vector<16xi32>, vector<16xi32>], vector<16xf32>, vector<16xi1>
        %add3A_279 = arith.constant 16384 : i32
        %add3A_280 = vector.broadcast %add3A_279 : i32 to vector<16xi32>
        %add3A_281 = arith.addi %and3A_266, %add3A_280 : vector<16xi32>
        tpu.vector_store_idx %arg5[%add3A_281], %gather3A_278 masked %lt3A_270 : memref<114688xf32, #tpu.memory_space<vmem>>[vector<16xi32>], vector<16xf32>, vector<16xi1>
        %broadcast_in_dim3A_282 = arith.constant 2 : i32
        %broadcast_in_dim3A_283 = vector.broadcast %broadcast_in_dim3A_282 : i32 to vector<16xi32>
        %gather3A_284 = tpu.vector_load_idx %arg6[%broadcast_in_dim3A_283, %shift_right_logical3A_263] masked %lt3A_270 : memref<7x640xf32, #tpu.memory_space<vmem>>[vector<16xi32>, vector<16xi32>], vector<16xf32>, vector<16xi1>
        %add3A_285 = arith.constant 32768 : i32
        %add3A_286 = vector.broadcast %add3A_285 : i32 to vector<16xi32>
        %add3A_287 = arith.addi %and3A_266, %add3A_286 : vector<16xi32>
        tpu.vector_store_idx %arg5[%add3A_287], %gather3A_284 masked %lt3A_270 : memref<114688xf32, #tpu.memory_space<vmem>>[vector<16xi32>], vector<16xf32>, vector<16xi1>
        %broadcast_in_dim3A_288 = arith.constant 3 : i32
        %broadcast_in_dim3A_289 = vector.broadcast %broadcast_in_dim3A_288 : i32 to vector<16xi32>
        %gather3A_290 = tpu.vector_load_idx %arg6[%broadcast_in_dim3A_289, %shift_right_logical3A_263] masked %lt3A_270 : memref<7x640xf32, #tpu.memory_space<vmem>>[vector<16xi32>, vector<16xi32>], vector<16xf32>, vector<16xi1>
        %add3A_291 = arith.constant 49152 : i32
        %add3A_292 = vector.broadcast %add3A_291 : i32 to vector<16xi32>
        %add3A_293 = arith.addi %and3A_266, %add3A_292 : vector<16xi32>
        tpu.vector_store_idx %arg5[%add3A_293], %gather3A_290 masked %lt3A_270 : memref<114688xf32, #tpu.memory_space<vmem>>[vector<16xi32>], vector<16xf32>, vector<16xi1>
        %broadcast_in_dim3A_294 = arith.constant 4 : i32
        %broadcast_in_dim3A_295 = vector.broadcast %broadcast_in_dim3A_294 : i32 to vector<16xi32>
        %gather3A_296 = tpu.vector_load_idx %arg6[%broadcast_in_dim3A_295, %shift_right_logical3A_263] masked %lt3A_270 : memref<7x640xf32, #tpu.memory_space<vmem>>[vector<16xi32>, vector<16xi32>], vector<16xf32>, vector<16xi1>
        %add3A_297 = arith.constant 65536 : i32
        %add3A_298 = vector.broadcast %add3A_297 : i32 to vector<16xi32>
        %add3A_299 = arith.addi %and3A_266, %add3A_298 : vector<16xi32>
        tpu.vector_store_idx %arg5[%add3A_299], %gather3A_296 masked %lt3A_270 : memref<114688xf32, #tpu.memory_space<vmem>>[vector<16xi32>], vector<16xf32>, vector<16xi1>
        %broadcast_in_dim3A_300 = arith.constant 5 : i32
        %broadcast_in_dim3A_301 = vector.broadcast %broadcast_in_dim3A_300 : i32 to vector<16xi32>
        %gather3A_302 = tpu.vector_load_idx %arg6[%broadcast_in_dim3A_301, %shift_right_logical3A_263] masked %lt3A_270 : memref<7x640xf32, #tpu.memory_space<vmem>>[vector<16xi32>, vector<16xi32>], vector<16xf32>, vector<16xi1>
        %add3A_303 = arith.constant 81920 : i32
        %add3A_304 = vector.broadcast %add3A_303 : i32 to vector<16xi32>
        %add3A_305 = arith.addi %and3A_266, %add3A_304 : vector<16xi32>
        tpu.vector_store_idx %arg5[%add3A_305], %gather3A_302 masked %lt3A_270 : memref<114688xf32, #tpu.memory_space<vmem>>[vector<16xi32>], vector<16xf32>, vector<16xi1>
        %broadcast_in_dim3A_306 = arith.constant 6 : i32
        %broadcast_in_dim3A_307 = vector.broadcast %broadcast_in_dim3A_306 : i32 to vector<16xi32>
        %gather3A_308 = tpu.vector_load_idx %arg6[%broadcast_in_dim3A_307, %shift_right_logical3A_263] masked %lt3A_270 : memref<7x640xf32, #tpu.memory_space<vmem>>[vector<16xi32>, vector<16xi32>], vector<16xf32>, vector<16xi1>
        %add3A_309 = arith.constant 98304 : i32
        %add3A_310 = vector.broadcast %add3A_309 : i32 to vector<16xi32>
        %add3A_311 = arith.addi %and3A_266, %add3A_310 : vector<16xi32>
        tpu.vector_store_idx %arg5[%add3A_311], %gather3A_308 masked %lt3A_270 : memref<114688xf32, #tpu.memory_space<vmem>>[vector<16xi32>], vector<16xf32>, vector<16xi1>
        %while3A_312 = arith.constant 0 : i32
        scf.yield %while3A_312 : i32
      }
      %while3A_153 = arith.constant 1 : i32
      %while3A_154 = scf.for %while3A_257 = %while3A_150 to %while3A_146 step %while3A_153 iter_args(%while3A_258 = %while3A_152) -> (i32)  : i32 {
        %mul3A_259 = arith.constant 16 : i32
        %mul3A_260 = arith.muli %while3A_257, %mul3A_259 : i32
        %get3A = arith.index_cast %mul3A_260 : i32 to index
        %get3A_261 = tpu.vector_load %arg11[%get3A] {strides = array<i32>} : memref<336xi32, #tpu.memory_space<vmem>>, vector<16xi32>,
        %shift_right_logical3A = arith.constant 14 : i32
        %shift_right_logical3A_262 = vector.broadcast %shift_right_logical3A : i32 to vector<16xi32>
        %shift_right_logical3A_263 = arith.shrui %get3A_261, %shift_right_logical3A_262 : vector<16xi32>
        %and3A_264 = arith.constant 16383 : i32
        %and3A_265 = vector.broadcast %and3A_264 : i32 to vector<16xi32>
        %and3A_266 = arith.andi %get3A_261, %and3A_265 : vector<16xi32>
        %add3A_267 = vector.broadcast %mul3A_260 : i32 to vector<16xi32>
        %add3A_268 = arith.addi %iota3A, %add3A_267 : vector<16xi32>
        %lt3A_269 = vector.broadcast %scan3A_78#1 : i32 to vector<16xi32>
        %lt3A_270 = arith.cmpi slt, %add3A_268, %lt3A_269 : vector<16xi32>
        %broadcast_in_dim3A_271 = arith.constant 0 : i32
        %broadcast_in_dim3A_272 = vector.broadcast %broadcast_in_dim3A_271 : i32 to vector<16xi32>
        %gather3A = tpu.vector_load_idx %arg6[%broadcast_in_dim3A_272, %shift_right_logical3A_263] masked %lt3A_270 : memref<7x640xf32, #tpu.memory_space<vmem>>[vector<16xi32>, vector<16xi32>], vector<16xf32>, vector<16xi1>
        %add3A_273 = arith.constant 0 : i32
        %add3A_274 = vector.broadcast %add3A_273 : i32 to vector<16xi32>
        %add3A_275 = arith.addi %and3A_266, %add3A_274 : vector<16xi32>
        tpu.vector_store_idx %arg5[%add3A_275], %gather3A masked %lt3A_270 : memref<114688xf32, #tpu.memory_space<vmem>>[vector<16xi32>], vector<16xf32>, vector<16xi1>
        %broadcast_in_dim3A_276 = arith.constant 1 : i32
        %broadcast_in_dim3A_277 = vector.broadcast %broadcast_in_dim3A_276 : i32 to vector<16xi32>
        %gather3A_278 = tpu.vector_load_idx %arg6[%broadcast_in_dim3A_277, %shift_right_logical3A_263] masked %lt3A_270 : memref<7x640xf32, #tpu.memory_space<vmem>>[vector<16xi32>, vector<16xi32>], vector<16xf32>, vector<16xi1>
        %add3A_279 = arith.constant 16384 : i32
        %add3A_280 = vector.broadcast %add3A_279 : i32 to vector<16xi32>
        %add3A_281 = arith.addi %and3A_266, %add3A_280 : vector<16xi32>
        tpu.vector_store_idx %arg5[%add3A_281], %gather3A_278 masked %lt3A_270 : memref<114688xf32, #tpu.memory_space<vmem>>[vector<16xi32>], vector<16xf32>, vector<16xi1>
        %broadcast_in_dim3A_282 = arith.constant 2 : i32
        %broadcast_in_dim3A_283 = vector.broadcast %broadcast_in_dim3A_282 : i32 to vector<16xi32>
        %gather3A_284 = tpu.vector_load_idx %arg6[%broadcast_in_dim3A_283, %shift_right_logical3A_263] masked %lt3A_270 : memref<7x640xf32, #tpu.memory_space<vmem>>[vector<16xi32>, vector<16xi32>], vector<16xf32>, vector<16xi1>
        %add3A_285 = arith.constant 32768 : i32
        %add3A_286 = vector.broadcast %add3A_285 : i32 to vector<16xi32>
        %add3A_287 = arith.addi %and3A_266, %add3A_286 : vector<16xi32>
        tpu.vector_store_idx %arg5[%add3A_287], %gather3A_284 masked %lt3A_270 : memref<114688xf32, #tpu.memory_space<vmem>>[vector<16xi32>], vector<16xf32>, vector<16xi1>
        %broadcast_in_dim3A_288 = arith.constant 3 : i32
        %broadcast_in_dim3A_289 = vector.broadcast %broadcast_in_dim3A_288 : i32 to vector<16xi32>
        %gather3A_290 = tpu.vector_load_idx %arg6[%broadcast_in_dim3A_289, %shift_right_logical3A_263] masked %lt3A_270 : memref<7x640xf32, #tpu.memory_space<vmem>>[vector<16xi32>, vector<16xi32>], vector<16xf32>, vector<16xi1>
        %add3A_291 = arith.constant 49152 : i32
        %add3A_292 = vector.broadcast %add3A_291 : i32 to vector<16xi32>
        %add3A_293 = arith.addi %and3A_266, %add3A_292 : vector<16xi32>
        tpu.vector_store_idx %arg5[%add3A_293], %gather3A_290 masked %lt3A_270 : memref<114688xf32, #tpu.memory_space<vmem>>[vector<16xi32>], vector<16xf32>, vector<16xi1>
        %broadcast_in_dim3A_294 = arith.constant 4 : i32
        %broadcast_in_dim3A_295 = vector.broadcast %broadcast_in_dim3A_294 : i32 to vector<16xi32>
        %gather3A_296 = tpu.vector_load_idx %arg6[%broadcast_in_dim3A_295, %shift_right_logical3A_263] masked %lt3A_270 : memref<7x640xf32, #tpu.memory_space<vmem>>[vector<16xi32>, vector<16xi32>], vector<16xf32>, vector<16xi1>
        %add3A_297 = arith.constant 65536 : i32
        %add3A_298 = vector.broadcast %add3A_297 : i32 to vector<16xi32>
        %add3A_299 = arith.addi %and3A_266, %add3A_298 : vector<16xi32>
        tpu.vector_store_idx %arg5[%add3A_299], %gather3A_296 masked %lt3A_270 : memref<114688xf32, #tpu.memory_space<vmem>>[vector<16xi32>], vector<16xf32>, vector<16xi1>
        %broadcast_in_dim3A_300 = arith.constant 5 : i32
        %broadcast_in_dim3A_301 = vector.broadcast %broadcast_in_dim3A_300 : i32 to vector<16xi32>
        %gather3A_302 = tpu.vector_load_idx %arg6[%broadcast_in_dim3A_301, %shift_right_logical3A_263] masked %lt3A_270 : memref<7x640xf32, #tpu.memory_space<vmem>>[vector<16xi32>, vector<16xi32>], vector<16xf32>, vector<16xi1>
        %add3A_303 = arith.constant 81920 : i32
        %add3A_304 = vector.broadcast %add3A_303 : i32 to vector<16xi32>
        %add3A_305 = arith.addi %and3A_266, %add3A_304 : vector<16xi32>
        tpu.vector_store_idx %arg5[%add3A_305], %gather3A_302 masked %lt3A_270 : memref<114688xf32, #tpu.memory_space<vmem>>[vector<16xi32>], vector<16xf32>, vector<16xi1>
        %broadcast_in_dim3A_306 = arith.constant 6 : i32
        %broadcast_in_dim3A_307 = vector.broadcast %broadcast_in_dim3A_306 : i32 to vector<16xi32>
        %gather3A_308 = tpu.vector_load_idx %arg6[%broadcast_in_dim3A_307, %shift_right_logical3A_263] masked %lt3A_270 : memref<7x640xf32, #tpu.memory_space<vmem>>[vector<16xi32>, vector<16xi32>], vector<16xf32>, vector<16xi1>
        %add3A_309 = arith.constant 98304 : i32
        %add3A_310 = vector.broadcast %add3A_309 : i32 to vector<16xi32>
        %add3A_311 = arith.addi %and3A_266, %add3A_310 : vector<16xi32>
        tpu.vector_store_idx %arg5[%add3A_311], %gather3A_308 masked %lt3A_270 : memref<114688xf32, #tpu.memory_space<vmem>>[vector<16xi32>], vector<16xf32>, vector<16xi1>
        %while3A_312 = arith.constant 0 : i32
        scf.yield %while3A_312 : i32
      }
      %add3A_155 = arith.constant 2 : i32
      %add3A_156 = arith.addi %mul3A_45, %add3A_155 : i32
      %lt3A = arith.constant 188 : i32
      %lt3A_157 = arith.cmpi slt, %add3A_156, %lt3A : i32
      %convert_element_type3A = arith.extui %lt3A_157 : i1 to i32
      %cond3A = arith.constant 0 : i32
      %cond3A_158 = arith.cmpi ne, %convert_element_type3A, %cond3A : i32
      scf.if %cond3A_158 {
        %add3A_257 = arith.constant 2 : i32
        %add3A_258 = arith.addi %mul3A_45, %add3A_257 : i32
        %mul3A_259 = arith.constant 120320 : i32
        %mul3A_260 = arith.muli %select_n3A, %mul3A_259 : i32
        %mul3A_261 = arith.constant 640 : i32
        %mul3A_262 = arith.muli %add3A_258, %mul3A_261 : i32
        %add3A_263 = arith.addi %mul3A_260, %mul3A_262 : i32
        %dma_start3A_264 = arith.constant 0 : i32
        %dma_start3A_265 = tpu.memref_slice %arg2[%dma_start3A_264, %add3A_263] : memref<7x481280xf32, #tpu.memory_space<hbm>> -> memref<7x640xf32, #tpu.memory_space<hbm>>
        %dma_start3A_266 = arith.constant 0 : i32
        %dma_start3A_267 = tpu.memref_slice %arg2[%dma_start3A_266, %add3A_263] : memref<7x481280xf32, #tpu.memory_space<hbm>> -> memref<7x640xf32, #tpu.memory_space<hbm>>
        tpu.enqueue_dma source(%dma_start3A_267 : memref<7x640xf32, #tpu.memory_space<hbm>>) target(%arg6 : memref<7x640xf32, #tpu.memory_space<vmem>>) target_semaphore(%arg12 : memref<!tpu.dma_semaphore, #tpu.memory_space<semaphore_mem>>)
        %dma_start3A_268 = arith.constant 0 : i32
        %dma_start3A_269 = tpu.memref_slice %arg3[%dma_start3A_268, %add3A_263] : memref<1x481280xi32, #tpu.memory_space<hbm>> -> memref<1x640xi32, #tpu.memory_space<hbm>>
        %dma_start3A_270 = arith.constant 0 : i32
        %dma_start3A_271 = tpu.memref_slice %arg3[%dma_start3A_270, %add3A_263] : memref<1x481280xi32, #tpu.memory_space<hbm>> -> memref<1x640xi32, #tpu.memory_space<hbm>>
        tpu.enqueue_dma source(%dma_start3A_271 : memref<1x640xi32, #tpu.memory_space<hbm>>) target(%arg7 : memref<1x640xi32, #tpu.memory_space<vmem>>) target_semaphore(%arg12 : memref<!tpu.dma_semaphore, #tpu.memory_space<semaphore_mem>>)
      } else {
      }
      %dma_wait3A_159 = arith.constant 0 : i32
      %dma_wait3A_160 = arith.constant 0 : i32
      %dma_wait3A_161 = tpu.memref_slice %arg2[%dma_wait3A_159, %dma_wait3A_160] : memref<7x481280xf32, #tpu.memory_space<hbm>> -> memref<7x640xf32, #tpu.memory_space<hbm>>
      %dma_wait3A_162 = arith.constant 0 : i32
      %dma_wait3A_163 = arith.constant 0 : i32
      %dma_wait3A_164 = tpu.memref_slice %arg2[%dma_wait3A_162, %dma_wait3A_163] : memref<7x481280xf32, #tpu.memory_space<hbm>> -> memref<7x640xf32, #tpu.memory_space<hbm>>
      tpu.wait_dma2 semaphore(%arg13 : memref<!tpu.dma_semaphore, #tpu.memory_space<semaphore_mem>>) src(%dma_wait3A_164 : memref<7x640xf32, #tpu.memory_space<hbm>>) dst(%arg8 : memref<7x640xf32, #tpu.memory_space<vmem>>)
      %dma_wait3A_165 = arith.constant 0 : i32
      %dma_wait3A_166 = arith.constant 0 : i32
      %dma_wait3A_167 = tpu.memref_slice %arg3[%dma_wait3A_165, %dma_wait3A_166] : memref<1x481280xi32, #tpu.memory_space<hbm>> -> memref<1x640xi32, #tpu.memory_space<hbm>>
      %dma_wait3A_168 = arith.constant 0 : i32
      %dma_wait3A_169 = arith.constant 0 : i32
      %dma_wait3A_170 = tpu.memref_slice %arg3[%dma_wait3A_168, %dma_wait3A_169] : memref<1x481280xi32, #tpu.memory_space<hbm>> -> memref<1x640xi32, #tpu.memory_space<hbm>>
      tpu.wait_dma2 semaphore(%arg13 : memref<!tpu.dma_semaphore, #tpu.memory_space<semaphore_mem>>) src(%dma_wait3A_170 : memref<1x640xi32, #tpu.memory_space<hbm>>) dst(%arg9 : memref<1x640xi32, #tpu.memory_space<vmem>>)
      %iota3A_171 = tpu.iota {dimensions = array<i32: 0>} : vector<16xi32>
      %scan3A_172 = arith.constant 0 : i32
      %scan3A_173 = arith.constant 0 : i32
      %scan3A_174 = arith.constant 0 : i32
      %scan3A_175 = arith.constant 20 : i32
      %scan3A_176 = arith.addi %scan3A_174, %scan3A_175 : i32
      %scan3A_177 = arith.constant 2 : i32
      %scan3A_178:2 = scf.for %scan3A_257 = %scan3A_174 to %scan3A_176 step %scan3A_177 iter_args(%scan3A_258 = %scan3A_172, %scan3A_259 = %scan3A_173) -> (i32, i32)  : i32 {
        %mul3A_260 = arith.constant 16 : i32
        %mul3A_261 = arith.muli %scan3A_257, %mul3A_260 : i32
        %get3A = arith.constant 0 : i32
        %get3A_262 = arith.index_cast %get3A : i32 to index
        %get3A_263 = arith.index_cast %mul3A_261 : i32 to index
        %get3A_264 = tpu.vector_load %arg9[%get3A_262, %get3A_263] {strides = array<i32>} : memref<1x640xi32, #tpu.memory_space<vmem>>, vector<16xi32>,
        %shift_right_arithmetic3A = arith.constant 14 : i32
        %shift_right_arithmetic3A_265 = vector.broadcast %shift_right_arithmetic3A : i32 to vector<16xi32>
        %shift_right_arithmetic3A_266 = arith.shrsi %get3A_264, %shift_right_arithmetic3A_265 : vector<16xi32>
        %eq3A = vector.broadcast %add3A : i32 to vector<16xi32>
        %eq3A_267 = arith.cmpi eq, %shift_right_arithmetic3A_266, %eq3A : vector<16xi32>
        %and3A_268 = arith.constant 16383 : i32
        %and3A_269 = vector.broadcast %and3A_268 : i32 to vector<16xi32>
        %and3A_270 = arith.andi %get3A_264, %and3A_269 : vector<16xi32>
        %add3A_271 = vector.broadcast %mul3A_261 : i32 to vector<16xi32>
        %add3A_272 = arith.addi %iota3A_171, %add3A_271 : vector<16xi32>
        %shift_left3A = arith.constant 14 : i32
        %shift_left3A_273 = vector.broadcast %shift_left3A : i32 to vector<16xi32>
        %shift_left3A_274 = arith.shli %add3A_272, %shift_left3A_273 : vector<16xi32>
        %or3A = arith.ori %and3A_270, %shift_left3A_274 : vector<16xi32>
        %swap3A = arith.index_cast %scan3A_258 : i32 to index
        %swap3A_275 = tpu.vector_load %arg10[%swap3A] masked %eq3A_267 {strides = array<i32>} : memref<336xi32, #tpu.memory_space<vmem>>, vector<16xi32>, vector<16xi1>
        tpu.vector_store %arg10[%swap3A], %or3A masked %eq3A_267 {strides = array<i32>} : memref<336xi32, #tpu.memory_space<vmem>>, vector<16xi32>, vector<16xi1>
        %convert_element_type3A_276 = arith.extui %eq3A_267 : vector<16xi1> to vector<16xi32>
        %reduce_sum3A = arith.constant true
        %reduce_sum3A_277 = vector.broadcast %reduce_sum3A : i1 to vector<16xi1>
        %reduce_sum3A_278 = tpu.scan <sum>, %convert_element_type3A_276 masked %reduce_sum3A_277 : vector<16xi32>, vector<16xi1> -> vector<16xi32>
        %reduce_sum3A_279 = vector.extract %reduce_sum3A_278[15] : i32 from vector<16xi32>
        %add3A_280 = arith.addi %scan3A_258, %reduce_sum3A_279 : i32
        %add3A_281 = arith.constant 20 : i32
        %add3A_282 = arith.addi %scan3A_257, %add3A_281 : i32
        %mul3A_283 = arith.constant 16 : i32
        %mul3A_284 = arith.muli %add3A_282, %mul3A_283 : i32
        %get3A_285 = arith.constant 0 : i32
        %get3A_286 = arith.index_cast %get3A_285 : i32 to index
        %get3A_287 = arith.index_cast %mul3A_284 : i32 to index
        %get3A_288 = tpu.vector_load %arg9[%get3A_286, %get3A_287] {strides = array<i32>} : memref<1x640xi32, #tpu.memory_space<vmem>>, vector<16xi32>,
        %shift_right_arithmetic3A_289 = arith.constant 14 : i32
        %shift_right_arithmetic3A_290 = vector.broadcast %shift_right_arithmetic3A_289 : i32 to vector<16xi32>
        %shift_right_arithmetic3A_291 = arith.shrsi %get3A_288, %shift_right_arithmetic3A_290 : vector<16xi32>
        %eq3A_292 = vector.broadcast %add3A : i32 to vector<16xi32>
        %eq3A_293 = arith.cmpi eq, %shift_right_arithmetic3A_291, %eq3A_292 : vector<16xi32>
        %and3A_294 = arith.constant 16383 : i32
        %and3A_295 = vector.broadcast %and3A_294 : i32 to vector<16xi32>
        %and3A_296 = arith.andi %get3A_288, %and3A_295 : vector<16xi32>
        %add3A_297 = vector.broadcast %mul3A_284 : i32 to vector<16xi32>
        %add3A_298 = arith.addi %iota3A_171, %add3A_297 : vector<16xi32>
        %shift_left3A_299 = arith.constant 14 : i32
        %shift_left3A_300 = vector.broadcast %shift_left3A_299 : i32 to vector<16xi32>
        %shift_left3A_301 = arith.shli %add3A_298, %shift_left3A_300 : vector<16xi32>
        %or3A_302 = arith.ori %and3A_296, %shift_left3A_301 : vector<16xi32>
        %swap3A_303 = arith.index_cast %scan3A_259 : i32 to index
        %swap3A_304 = tpu.vector_load %arg11[%swap3A_303] masked %eq3A_293 {strides = array<i32>} : memref<336xi32, #tpu.memory_space<vmem>>, vector<16xi32>, vector<16xi1>
        tpu.vector_store %arg11[%swap3A_303], %or3A_302 masked %eq3A_293 {strides = array<i32>} : memref<336xi32, #tpu.memory_space<vmem>>, vector<16xi32>, vector<16xi1>
        %convert_element_type3A_305 = arith.extui %eq3A_293 : vector<16xi1> to vector<16xi32>
        %reduce_sum3A_306 = arith.constant true
        %reduce_sum3A_307 = vector.broadcast %reduce_sum3A_306 : i1 to vector<16xi1>
        %reduce_sum3A_308 = tpu.scan <sum>, %convert_element_type3A_305 masked %reduce_sum3A_307 : vector<16xi32>, vector<16xi1> -> vector<16xi32>
        %reduce_sum3A_309 = vector.extract %reduce_sum3A_308[15] : i32 from vector<16xi32>
        %add3A_310 = arith.addi %scan3A_259, %reduce_sum3A_309 : i32
        %scan3A_311 = arith.constant 1 : i32
        %scan3A_312 = arith.addi %scan3A_257, %scan3A_311 : i32
        %mul3A_313 = arith.constant 16 : i32
        %mul3A_314 = arith.muli %scan3A_312, %mul3A_313 : i32
        %get3A_315 = arith.constant 0 : i32
        %get3A_316 = arith.index_cast %get3A_315 : i32 to index
        %get3A_317 = arith.index_cast %mul3A_314 : i32 to index
        %get3A_318 = tpu.vector_load %arg9[%get3A_316, %get3A_317] {strides = array<i32>} : memref<1x640xi32, #tpu.memory_space<vmem>>, vector<16xi32>,
        %shift_right_arithmetic3A_319 = arith.constant 14 : i32
        %shift_right_arithmetic3A_320 = vector.broadcast %shift_right_arithmetic3A_319 : i32 to vector<16xi32>
        %shift_right_arithmetic3A_321 = arith.shrsi %get3A_318, %shift_right_arithmetic3A_320 : vector<16xi32>
        %eq3A_322 = vector.broadcast %add3A : i32 to vector<16xi32>
        %eq3A_323 = arith.cmpi eq, %shift_right_arithmetic3A_321, %eq3A_322 : vector<16xi32>
        %and3A_324 = arith.constant 16383 : i32
        %and3A_325 = vector.broadcast %and3A_324 : i32 to vector<16xi32>
        %and3A_326 = arith.andi %get3A_318, %and3A_325 : vector<16xi32>
        %add3A_327 = vector.broadcast %mul3A_314 : i32 to vector<16xi32>
        %add3A_328 = arith.addi %iota3A_171, %add3A_327 : vector<16xi32>
        %shift_left3A_329 = arith.constant 14 : i32
        %shift_left3A_330 = vector.broadcast %shift_left3A_329 : i32 to vector<16xi32>
        %shift_left3A_331 = arith.shli %add3A_328, %shift_left3A_330 : vector<16xi32>
        %or3A_332 = arith.ori %and3A_326, %shift_left3A_331 : vector<16xi32>
        %swap3A_333 = arith.index_cast %add3A_280 : i32 to index
        %swap3A_334 = tpu.vector_load %arg10[%swap3A_333] masked %eq3A_323 {strides = array<i32>} : memref<336xi32, #tpu.memory_space<vmem>>, vector<16xi32>, vector<16xi1>
        tpu.vector_store %arg10[%swap3A_333], %or3A_332 masked %eq3A_323 {strides = array<i32>} : memref<336xi32, #tpu.memory_space<vmem>>, vector<16xi32>, vector<16xi1>
        %convert_element_type3A_335 = arith.extui %eq3A_323 : vector<16xi1> to vector<16xi32>
        %reduce_sum3A_336 = arith.constant true
        %reduce_sum3A_337 = vector.broadcast %reduce_sum3A_336 : i1 to vector<16xi1>
        %reduce_sum3A_338 = tpu.scan <sum>, %convert_element_type3A_335 masked %reduce_sum3A_337 : vector<16xi32>, vector<16xi1> -> vector<16xi32>
        %reduce_sum3A_339 = vector.extract %reduce_sum3A_338[15] : i32 from vector<16xi32>
        %add3A_340 = arith.addi %add3A_280, %reduce_sum3A_339 : i32
        %add3A_341 = arith.constant 20 : i32
        %add3A_342 = arith.addi %scan3A_312, %add3A_341 : i32
        %mul3A_343 = arith.constant 16 : i32
        %mul3A_344 = arith.muli %add3A_342, %mul3A_343 : i32
        %get3A_345 = arith.constant 0 : i32
        %get3A_346 = arith.index_cast %get3A_345 : i32 to index
        %get3A_347 = arith.index_cast %mul3A_344 : i32 to index
        %get3A_348 = tpu.vector_load %arg9[%get3A_346, %get3A_347] {strides = array<i32>} : memref<1x640xi32, #tpu.memory_space<vmem>>, vector<16xi32>,
        %shift_right_arithmetic3A_349 = arith.constant 14 : i32
        %shift_right_arithmetic3A_350 = vector.broadcast %shift_right_arithmetic3A_349 : i32 to vector<16xi32>
        %shift_right_arithmetic3A_351 = arith.shrsi %get3A_348, %shift_right_arithmetic3A_350 : vector<16xi32>
        %eq3A_352 = vector.broadcast %add3A : i32 to vector<16xi32>
        %eq3A_353 = arith.cmpi eq, %shift_right_arithmetic3A_351, %eq3A_352 : vector<16xi32>
        %and3A_354 = arith.constant 16383 : i32
        %and3A_355 = vector.broadcast %and3A_354 : i32 to vector<16xi32>
        %and3A_356 = arith.andi %get3A_348, %and3A_355 : vector<16xi32>
        %add3A_357 = vector.broadcast %mul3A_344 : i32 to vector<16xi32>
        %add3A_358 = arith.addi %iota3A_171, %add3A_357 : vector<16xi32>
        %shift_left3A_359 = arith.constant 14 : i32
        %shift_left3A_360 = vector.broadcast %shift_left3A_359 : i32 to vector<16xi32>
        %shift_left3A_361 = arith.shli %add3A_358, %shift_left3A_360 : vector<16xi32>
        %or3A_362 = arith.ori %and3A_356, %shift_left3A_361 : vector<16xi32>
        %swap3A_363 = arith.index_cast %add3A_310 : i32 to index
        %swap3A_364 = tpu.vector_load %arg11[%swap3A_363] masked %eq3A_353 {strides = array<i32>} : memref<336xi32, #tpu.memory_space<vmem>>, vector<16xi32>, vector<16xi1>
        tpu.vector_store %arg11[%swap3A_363], %or3A_362 masked %eq3A_353 {strides = array<i32>} : memref<336xi32, #tpu.memory_space<vmem>>, vector<16xi32>, vector<16xi1>
        %convert_element_type3A_365 = arith.extui %eq3A_353 : vector<16xi1> to vector<16xi32>
        %reduce_sum3A_366 = arith.constant true
        %reduce_sum3A_367 = vector.broadcast %reduce_sum3A_366 : i1 to vector<16xi1>
        %reduce_sum3A_368 = tpu.scan <sum>, %convert_element_type3A_365 masked %reduce_sum3A_367 : vector<16xi32>, vector<16xi1> -> vector<16xi32>
        %reduce_sum3A_369 = vector.extract %reduce_sum3A_368[15] : i32 from vector<16xi32>
        %add3A_370 = arith.addi %add3A_310, %reduce_sum3A_369 : i32
        scf.yield %add3A_340, %add3A_370 : i32, i32
      }
      %scan3A_179 = arith.constant 20 : i32
      %add3A_180 = arith.constant 15 : i32
      %add3A_181 = arith.addi %scan3A_178#0, %add3A_180 : i32
      %jit3A_182 = arith.constant 16 : i32
      %div3A_183 = arith.divsi %add3A_181, %jit3A_182 : i32
      %sign3A_184 = arith.constant 0 : i32
      %sign3A_185 = arith.cmpi sgt, %add3A_181, %sign3A_184 : i32
      %sign3A_186 = arith.extui %sign3A_185 : i1 to i32
      %sign3A_187 = arith.constant 0 : i32
      %sign3A_188 = arith.cmpi slt, %add3A_181, %sign3A_187 : i32
      %sign3A_189 = arith.extui %sign3A_188 : i1 to i32
      %sign3A_190 = arith.subi %sign3A_186, %sign3A_189 : i32
      %sign3A_191 = arith.constant 0 : i32
      %sign3A_192 = arith.cmpi sgt, %jit3A_182, %sign3A_191 : i32
      %sign3A_193 = arith.extui %sign3A_192 : i1 to i32
      %sign3A_194 = arith.constant 0 : i32
      %sign3A_195 = arith.cmpi slt, %jit3A_182, %sign3A_194 : i32
      %sign3A_196 = arith.extui %sign3A_195 : i1 to i32
      %sign3A_197 = arith.subi %sign3A_193, %sign3A_196 : i32
      %ne3A_198 = arith.cmpi ne, %sign3A_190, %sign3A_197 : i32
      %rem3A_199 = arith.remsi %add3A_181, %jit3A_182 : i32
      %ne3A_200 = arith.constant 0 : i32
      %ne3A_201 = arith.cmpi ne, %rem3A_199, %ne3A_200 : i32
      %and3A_202 = arith.andi %ne3A_198, %ne3A_201 : i1
      %sub3A_203 = arith.constant 1 : i32
      %sub3A_204 = arith.subi %div3A_183, %sub3A_203 : i32
      %select_n3A_205 = arith.select %and3A_202, %sub3A_204, %div3A_183 : i32
      %while3A_206 = arith.constant 0 : i32
      %while3A_207 = arith.constant 0 : i32
      %while3A_208 = arith.subi %select_n3A_205, %while3A_206 : i32
      %while3A_209 = arith.addi %while3A_206, %while3A_208 : i32
      %while3A_210 = arith.constant 1 : i32
      %while3A_211 = arith.divsi %while3A_208, %while3A_210 : i32
      %while3A_212 = arith.muli %while3A_211, %while3A_210 : i32
      %while3A_213 = arith.addi %while3A_206, %while3A_212 : i32
      %while3A_214 = arith.constant 1 : i32
      %while3A_215 = scf.for %while3A_257 = %while3A_206 to %while3A_213 step %while3A_214 iter_args(%while3A_258 = %while3A_207) -> (i32)  : i32 {
        %mul3A_259 = arith.constant 16 : i32
        %mul3A_260 = arith.muli %while3A_257, %mul3A_259 : i32
        %get3A = arith.index_cast %mul3A_260 : i32 to index
        %get3A_261 = tpu.vector_load %arg10[%get3A] {strides = array<i32>} : memref<336xi32, #tpu.memory_space<vmem>>, vector<16xi32>,
        %shift_right_logical3A = arith.constant 14 : i32
        %shift_right_logical3A_262 = vector.broadcast %shift_right_logical3A : i32 to vector<16xi32>
        %shift_right_logical3A_263 = arith.shrui %get3A_261, %shift_right_logical3A_262 : vector<16xi32>
        %and3A_264 = arith.constant 16383 : i32
        %and3A_265 = vector.broadcast %and3A_264 : i32 to vector<16xi32>
        %and3A_266 = arith.andi %get3A_261, %and3A_265 : vector<16xi32>
        %add3A_267 = vector.broadcast %mul3A_260 : i32 to vector<16xi32>
        %add3A_268 = arith.addi %iota3A_171, %add3A_267 : vector<16xi32>
        %lt3A_269 = vector.broadcast %scan3A_178#0 : i32 to vector<16xi32>
        %lt3A_270 = arith.cmpi slt, %add3A_268, %lt3A_269 : vector<16xi32>
        %broadcast_in_dim3A_271 = arith.constant 0 : i32
        %broadcast_in_dim3A_272 = vector.broadcast %broadcast_in_dim3A_271 : i32 to vector<16xi32>
        %gather3A = tpu.vector_load_idx %arg8[%broadcast_in_dim3A_272, %shift_right_logical3A_263] masked %lt3A_270 : memref<7x640xf32, #tpu.memory_space<vmem>>[vector<16xi32>, vector<16xi32>], vector<16xf32>, vector<16xi1>
        %add3A_273 = arith.constant 0 : i32
        %add3A_274 = vector.broadcast %add3A_273 : i32 to vector<16xi32>
        %add3A_275 = arith.addi %and3A_266, %add3A_274 : vector<16xi32>
        tpu.vector_store_idx %arg5[%add3A_275], %gather3A masked %lt3A_270 : memref<114688xf32, #tpu.memory_space<vmem>>[vector<16xi32>], vector<16xf32>, vector<16xi1>
        %broadcast_in_dim3A_276 = arith.constant 1 : i32
        %broadcast_in_dim3A_277 = vector.broadcast %broadcast_in_dim3A_276 : i32 to vector<16xi32>
        %gather3A_278 = tpu.vector_load_idx %arg8[%broadcast_in_dim3A_277, %shift_right_logical3A_263] masked %lt3A_270 : memref<7x640xf32, #tpu.memory_space<vmem>>[vector<16xi32>, vector<16xi32>], vector<16xf32>, vector<16xi1>
        %add3A_279 = arith.constant 16384 : i32
        %add3A_280 = vector.broadcast %add3A_279 : i32 to vector<16xi32>
        %add3A_281 = arith.addi %and3A_266, %add3A_280 : vector<16xi32>
        tpu.vector_store_idx %arg5[%add3A_281], %gather3A_278 masked %lt3A_270 : memref<114688xf32, #tpu.memory_space<vmem>>[vector<16xi32>], vector<16xf32>, vector<16xi1>
        %broadcast_in_dim3A_282 = arith.constant 2 : i32
        %broadcast_in_dim3A_283 = vector.broadcast %broadcast_in_dim3A_282 : i32 to vector<16xi32>
        %gather3A_284 = tpu.vector_load_idx %arg8[%broadcast_in_dim3A_283, %shift_right_logical3A_263] masked %lt3A_270 : memref<7x640xf32, #tpu.memory_space<vmem>>[vector<16xi32>, vector<16xi32>], vector<16xf32>, vector<16xi1>
        %add3A_285 = arith.constant 32768 : i32
        %add3A_286 = vector.broadcast %add3A_285 : i32 to vector<16xi32>
        %add3A_287 = arith.addi %and3A_266, %add3A_286 : vector<16xi32>
        tpu.vector_store_idx %arg5[%add3A_287], %gather3A_284 masked %lt3A_270 : memref<114688xf32, #tpu.memory_space<vmem>>[vector<16xi32>], vector<16xf32>, vector<16xi1>
        %broadcast_in_dim3A_288 = arith.constant 3 : i32
        %broadcast_in_dim3A_289 = vector.broadcast %broadcast_in_dim3A_288 : i32 to vector<16xi32>
        %gather3A_290 = tpu.vector_load_idx %arg8[%broadcast_in_dim3A_289, %shift_right_logical3A_263] masked %lt3A_270 : memref<7x640xf32, #tpu.memory_space<vmem>>[vector<16xi32>, vector<16xi32>], vector<16xf32>, vector<16xi1>
        %add3A_291 = arith.constant 49152 : i32
        %add3A_292 = vector.broadcast %add3A_291 : i32 to vector<16xi32>
        %add3A_293 = arith.addi %and3A_266, %add3A_292 : vector<16xi32>
        tpu.vector_store_idx %arg5[%add3A_293], %gather3A_290 masked %lt3A_270 : memref<114688xf32, #tpu.memory_space<vmem>>[vector<16xi32>], vector<16xf32>, vector<16xi1>
        %broadcast_in_dim3A_294 = arith.constant 4 : i32
        %broadcast_in_dim3A_295 = vector.broadcast %broadcast_in_dim3A_294 : i32 to vector<16xi32>
        %gather3A_296 = tpu.vector_load_idx %arg8[%broadcast_in_dim3A_295, %shift_right_logical3A_263] masked %lt3A_270 : memref<7x640xf32, #tpu.memory_space<vmem>>[vector<16xi32>, vector<16xi32>], vector<16xf32>, vector<16xi1>
        %add3A_297 = arith.constant 65536 : i32
        %add3A_298 = vector.broadcast %add3A_297 : i32 to vector<16xi32>
        %add3A_299 = arith.addi %and3A_266, %add3A_298 : vector<16xi32>
        tpu.vector_store_idx %arg5[%add3A_299], %gather3A_296 masked %lt3A_270 : memref<114688xf32, #tpu.memory_space<vmem>>[vector<16xi32>], vector<16xf32>, vector<16xi1>
        %broadcast_in_dim3A_300 = arith.constant 5 : i32
        %broadcast_in_dim3A_301 = vector.broadcast %broadcast_in_dim3A_300 : i32 to vector<16xi32>
        %gather3A_302 = tpu.vector_load_idx %arg8[%broadcast_in_dim3A_301, %shift_right_logical3A_263] masked %lt3A_270 : memref<7x640xf32, #tpu.memory_space<vmem>>[vector<16xi32>, vector<16xi32>], vector<16xf32>, vector<16xi1>
        %add3A_303 = arith.constant 81920 : i32
        %add3A_304 = vector.broadcast %add3A_303 : i32 to vector<16xi32>
        %add3A_305 = arith.addi %and3A_266, %add3A_304 : vector<16xi32>
        tpu.vector_store_idx %arg5[%add3A_305], %gather3A_302 masked %lt3A_270 : memref<114688xf32, #tpu.memory_space<vmem>>[vector<16xi32>], vector<16xf32>, vector<16xi1>
        %broadcast_in_dim3A_306 = arith.constant 6 : i32
        %broadcast_in_dim3A_307 = vector.broadcast %broadcast_in_dim3A_306 : i32 to vector<16xi32>
        %gather3A_308 = tpu.vector_load_idx %arg8[%broadcast_in_dim3A_307, %shift_right_logical3A_263] masked %lt3A_270 : memref<7x640xf32, #tpu.memory_space<vmem>>[vector<16xi32>, vector<16xi32>], vector<16xf32>, vector<16xi1>
        %add3A_309 = arith.constant 98304 : i32
        %add3A_310 = vector.broadcast %add3A_309 : i32 to vector<16xi32>
        %add3A_311 = arith.addi %and3A_266, %add3A_310 : vector<16xi32>
        tpu.vector_store_idx %arg5[%add3A_311], %gather3A_308 masked %lt3A_270 : memref<114688xf32, #tpu.memory_space<vmem>>[vector<16xi32>], vector<16xf32>, vector<16xi1>
        %while3A_312 = arith.constant 0 : i32
        scf.yield %while3A_312 : i32
      }
      %while3A_216 = arith.constant 1 : i32
      %while3A_217 = scf.for %while3A_257 = %while3A_213 to %while3A_209 step %while3A_216 iter_args(%while3A_258 = %while3A_215) -> (i32)  : i32 {
        %mul3A_259 = arith.constant 16 : i32
        %mul3A_260 = arith.muli %while3A_257, %mul3A_259 : i32
        %get3A = arith.index_cast %mul3A_260 : i32 to index
        %get3A_261 = tpu.vector_load %arg10[%get3A] {strides = array<i32>} : memref<336xi32, #tpu.memory_space<vmem>>, vector<16xi32>,
        %shift_right_logical3A = arith.constant 14 : i32
        %shift_right_logical3A_262 = vector.broadcast %shift_right_logical3A : i32 to vector<16xi32>
        %shift_right_logical3A_263 = arith.shrui %get3A_261, %shift_right_logical3A_262 : vector<16xi32>
        %and3A_264 = arith.constant 16383 : i32
        %and3A_265 = vector.broadcast %and3A_264 : i32 to vector<16xi32>
        %and3A_266 = arith.andi %get3A_261, %and3A_265 : vector<16xi32>
        %add3A_267 = vector.broadcast %mul3A_260 : i32 to vector<16xi32>
        %add3A_268 = arith.addi %iota3A_171, %add3A_267 : vector<16xi32>
        %lt3A_269 = vector.broadcast %scan3A_178#0 : i32 to vector<16xi32>
        %lt3A_270 = arith.cmpi slt, %add3A_268, %lt3A_269 : vector<16xi32>
        %broadcast_in_dim3A_271 = arith.constant 0 : i32
        %broadcast_in_dim3A_272 = vector.broadcast %broadcast_in_dim3A_271 : i32 to vector<16xi32>
        %gather3A = tpu.vector_load_idx %arg8[%broadcast_in_dim3A_272, %shift_right_logical3A_263] masked %lt3A_270 : memref<7x640xf32, #tpu.memory_space<vmem>>[vector<16xi32>, vector<16xi32>], vector<16xf32>, vector<16xi1>
        %add3A_273 = arith.constant 0 : i32
        %add3A_274 = vector.broadcast %add3A_273 : i32 to vector<16xi32>
        %add3A_275 = arith.addi %and3A_266, %add3A_274 : vector<16xi32>
        tpu.vector_store_idx %arg5[%add3A_275], %gather3A masked %lt3A_270 : memref<114688xf32, #tpu.memory_space<vmem>>[vector<16xi32>], vector<16xf32>, vector<16xi1>
        %broadcast_in_dim3A_276 = arith.constant 1 : i32
        %broadcast_in_dim3A_277 = vector.broadcast %broadcast_in_dim3A_276 : i32 to vector<16xi32>
        %gather3A_278 = tpu.vector_load_idx %arg8[%broadcast_in_dim3A_277, %shift_right_logical3A_263] masked %lt3A_270 : memref<7x640xf32, #tpu.memory_space<vmem>>[vector<16xi32>, vector<16xi32>], vector<16xf32>, vector<16xi1>
        %add3A_279 = arith.constant 16384 : i32
        %add3A_280 = vector.broadcast %add3A_279 : i32 to vector<16xi32>
        %add3A_281 = arith.addi %and3A_266, %add3A_280 : vector<16xi32>
        tpu.vector_store_idx %arg5[%add3A_281], %gather3A_278 masked %lt3A_270 : memref<114688xf32, #tpu.memory_space<vmem>>[vector<16xi32>], vector<16xf32>, vector<16xi1>
        %broadcast_in_dim3A_282 = arith.constant 2 : i32
        %broadcast_in_dim3A_283 = vector.broadcast %broadcast_in_dim3A_282 : i32 to vector<16xi32>
        %gather3A_284 = tpu.vector_load_idx %arg8[%broadcast_in_dim3A_283, %shift_right_logical3A_263] masked %lt3A_270 : memref<7x640xf32, #tpu.memory_space<vmem>>[vector<16xi32>, vector<16xi32>], vector<16xf32>, vector<16xi1>
        %add3A_285 = arith.constant 32768 : i32
        %add3A_286 = vector.broadcast %add3A_285 : i32 to vector<16xi32>
        %add3A_287 = arith.addi %and3A_266, %add3A_286 : vector<16xi32>
        tpu.vector_store_idx %arg5[%add3A_287], %gather3A_284 masked %lt3A_270 : memref<114688xf32, #tpu.memory_space<vmem>>[vector<16xi32>], vector<16xf32>, vector<16xi1>
        %broadcast_in_dim3A_288 = arith.constant 3 : i32
        %broadcast_in_dim3A_289 = vector.broadcast %broadcast_in_dim3A_288 : i32 to vector<16xi32>
        %gather3A_290 = tpu.vector_load_idx %arg8[%broadcast_in_dim3A_289, %shift_right_logical3A_263] masked %lt3A_270 : memref<7x640xf32, #tpu.memory_space<vmem>>[vector<16xi32>, vector<16xi32>], vector<16xf32>, vector<16xi1>
        %add3A_291 = arith.constant 49152 : i32
        %add3A_292 = vector.broadcast %add3A_291 : i32 to vector<16xi32>
        %add3A_293 = arith.addi %and3A_266, %add3A_292 : vector<16xi32>
        tpu.vector_store_idx %arg5[%add3A_293], %gather3A_290 masked %lt3A_270 : memref<114688xf32, #tpu.memory_space<vmem>>[vector<16xi32>], vector<16xf32>, vector<16xi1>
        %broadcast_in_dim3A_294 = arith.constant 4 : i32
        %broadcast_in_dim3A_295 = vector.broadcast %broadcast_in_dim3A_294 : i32 to vector<16xi32>
        %gather3A_296 = tpu.vector_load_idx %arg8[%broadcast_in_dim3A_295, %shift_right_logical3A_263] masked %lt3A_270 : memref<7x640xf32, #tpu.memory_space<vmem>>[vector<16xi32>, vector<16xi32>], vector<16xf32>, vector<16xi1>
        %add3A_297 = arith.constant 65536 : i32
        %add3A_298 = vector.broadcast %add3A_297 : i32 to vector<16xi32>
        %add3A_299 = arith.addi %and3A_266, %add3A_298 : vector<16xi32>
        tpu.vector_store_idx %arg5[%add3A_299], %gather3A_296 masked %lt3A_270 : memref<114688xf32, #tpu.memory_space<vmem>>[vector<16xi32>], vector<16xf32>, vector<16xi1>
        %broadcast_in_dim3A_300 = arith.constant 5 : i32
        %broadcast_in_dim3A_301 = vector.broadcast %broadcast_in_dim3A_300 : i32 to vector<16xi32>
        %gather3A_302 = tpu.vector_load_idx %arg8[%broadcast_in_dim3A_301, %shift_right_logical3A_263] masked %lt3A_270 : memref<7x640xf32, #tpu.memory_space<vmem>>[vector<16xi32>, vector<16xi32>], vector<16xf32>, vector<16xi1>
        %add3A_303 = arith.constant 81920 : i32
        %add3A_304 = vector.broadcast %add3A_303 : i32 to vector<16xi32>
        %add3A_305 = arith.addi %and3A_266, %add3A_304 : vector<16xi32>
        tpu.vector_store_idx %arg5[%add3A_305], %gather3A_302 masked %lt3A_270 : memref<114688xf32, #tpu.memory_space<vmem>>[vector<16xi32>], vector<16xf32>, vector<16xi1>
        %broadcast_in_dim3A_306 = arith.constant 6 : i32
        %broadcast_in_dim3A_307 = vector.broadcast %broadcast_in_dim3A_306 : i32 to vector<16xi32>
        %gather3A_308 = tpu.vector_load_idx %arg8[%broadcast_in_dim3A_307, %shift_right_logical3A_263] masked %lt3A_270 : memref<7x640xf32, #tpu.memory_space<vmem>>[vector<16xi32>, vector<16xi32>], vector<16xf32>, vector<16xi1>
        %add3A_309 = arith.constant 98304 : i32
        %add3A_310 = vector.broadcast %add3A_309 : i32 to vector<16xi32>
        %add3A_311 = arith.addi %and3A_266, %add3A_310 : vector<16xi32>
        tpu.vector_store_idx %arg5[%add3A_311], %gather3A_308 masked %lt3A_270 : memref<114688xf32, #tpu.memory_space<vmem>>[vector<16xi32>], vector<16xf32>, vector<16xi1>
        %while3A_312 = arith.constant 0 : i32
        scf.yield %while3A_312 : i32
      }
      %add3A_218 = arith.constant 15 : i32
      %add3A_219 = arith.addi %scan3A_178#1, %add3A_218 : i32
      %jit3A_220 = arith.constant 16 : i32
      %div3A_221 = arith.divsi %add3A_219, %jit3A_220 : i32
      %sign3A_222 = arith.constant 0 : i32
      %sign3A_223 = arith.cmpi sgt, %add3A_219, %sign3A_222 : i32
      %sign3A_224 = arith.extui %sign3A_223 : i1 to i32
      %sign3A_225 = arith.constant 0 : i32
      %sign3A_226 = arith.cmpi slt, %add3A_219, %sign3A_225 : i32
      %sign3A_227 = arith.extui %sign3A_226 : i1 to i32
      %sign3A_228 = arith.subi %sign3A_224, %sign3A_227 : i32
      %sign3A_229 = arith.constant 0 : i32
      %sign3A_230 = arith.cmpi sgt, %jit3A_220, %sign3A_229 : i32
      %sign3A_231 = arith.extui %sign3A_230 : i1 to i32
      %sign3A_232 = arith.constant 0 : i32
      %sign3A_233 = arith.cmpi slt, %jit3A_220, %sign3A_232 : i32
      %sign3A_234 = arith.extui %sign3A_233 : i1 to i32
      %sign3A_235 = arith.subi %sign3A_231, %sign3A_234 : i32
      %ne3A_236 = arith.cmpi ne, %sign3A_228, %sign3A_235 : i32
      %rem3A_237 = arith.remsi %add3A_219, %jit3A_220 : i32
      %ne3A_238 = arith.constant 0 : i32
      %ne3A_239 = arith.cmpi ne, %rem3A_237, %ne3A_238 : i32
      %and3A_240 = arith.andi %ne3A_236, %ne3A_239 : i1
      %sub3A_241 = arith.constant 1 : i32
      %sub3A_242 = arith.subi %div3A_221, %sub3A_241 : i32
      %select_n3A_243 = arith.select %and3A_240, %sub3A_242, %div3A_221 : i32
      %while3A_244 = arith.constant 0 : i32
      %while3A_245 = arith.constant 0 : i32
      %while3A_246 = arith.subi %select_n3A_243, %while3A_244 : i32
      %while3A_247 = arith.addi %while3A_244, %while3A_246 : i32
      %while3A_248 = arith.constant 1 : i32
      %while3A_249 = arith.divsi %while3A_246, %while3A_248 : i32
      %while3A_250 = arith.muli %while3A_249, %while3A_248 : i32
      %while3A_251 = arith.addi %while3A_244, %while3A_250 : i32
      %while3A_252 = arith.constant 1 : i32
      %while3A_253 = scf.for %while3A_257 = %while3A_244 to %while3A_251 step %while3A_252 iter_args(%while3A_258 = %while3A_245) -> (i32)  : i32 {
        %mul3A_259 = arith.constant 16 : i32
        %mul3A_260 = arith.muli %while3A_257, %mul3A_259 : i32
        %get3A = arith.index_cast %mul3A_260 : i32 to index
        %get3A_261 = tpu.vector_load %arg11[%get3A] {strides = array<i32>} : memref<336xi32, #tpu.memory_space<vmem>>, vector<16xi32>,
        %shift_right_logical3A = arith.constant 14 : i32
        %shift_right_logical3A_262 = vector.broadcast %shift_right_logical3A : i32 to vector<16xi32>
        %shift_right_logical3A_263 = arith.shrui %get3A_261, %shift_right_logical3A_262 : vector<16xi32>
        %and3A_264 = arith.constant 16383 : i32
        %and3A_265 = vector.broadcast %and3A_264 : i32 to vector<16xi32>
        %and3A_266 = arith.andi %get3A_261, %and3A_265 : vector<16xi32>
        %add3A_267 = vector.broadcast %mul3A_260 : i32 to vector<16xi32>
        %add3A_268 = arith.addi %iota3A_171, %add3A_267 : vector<16xi32>
        %lt3A_269 = vector.broadcast %scan3A_178#1 : i32 to vector<16xi32>
        %lt3A_270 = arith.cmpi slt, %add3A_268, %lt3A_269 : vector<16xi32>
        %broadcast_in_dim3A_271 = arith.constant 0 : i32
        %broadcast_in_dim3A_272 = vector.broadcast %broadcast_in_dim3A_271 : i32 to vector<16xi32>
        %gather3A = tpu.vector_load_idx %arg8[%broadcast_in_dim3A_272, %shift_right_logical3A_263] masked %lt3A_270 : memref<7x640xf32, #tpu.memory_space<vmem>>[vector<16xi32>, vector<16xi32>], vector<16xf32>, vector<16xi1>
        %add3A_273 = arith.constant 0 : i32
        %add3A_274 = vector.broadcast %add3A_273 : i32 to vector<16xi32>
        %add3A_275 = arith.addi %and3A_266, %add3A_274 : vector<16xi32>
        tpu.vector_store_idx %arg5[%add3A_275], %gather3A masked %lt3A_270 : memref<114688xf32, #tpu.memory_space<vmem>>[vector<16xi32>], vector<16xf32>, vector<16xi1>
        %broadcast_in_dim3A_276 = arith.constant 1 : i32
        %broadcast_in_dim3A_277 = vector.broadcast %broadcast_in_dim3A_276 : i32 to vector<16xi32>
        %gather3A_278 = tpu.vector_load_idx %arg8[%broadcast_in_dim3A_277, %shift_right_logical3A_263] masked %lt3A_270 : memref<7x640xf32, #tpu.memory_space<vmem>>[vector<16xi32>, vector<16xi32>], vector<16xf32>, vector<16xi1>
        %add3A_279 = arith.constant 16384 : i32
        %add3A_280 = vector.broadcast %add3A_279 : i32 to vector<16xi32>
        %add3A_281 = arith.addi %and3A_266, %add3A_280 : vector<16xi32>
        tpu.vector_store_idx %arg5[%add3A_281], %gather3A_278 masked %lt3A_270 : memref<114688xf32, #tpu.memory_space<vmem>>[vector<16xi32>], vector<16xf32>, vector<16xi1>
        %broadcast_in_dim3A_282 = arith.constant 2 : i32
        %broadcast_in_dim3A_283 = vector.broadcast %broadcast_in_dim3A_282 : i32 to vector<16xi32>
        %gather3A_284 = tpu.vector_load_idx %arg8[%broadcast_in_dim3A_283, %shift_right_logical3A_263] masked %lt3A_270 : memref<7x640xf32, #tpu.memory_space<vmem>>[vector<16xi32>, vector<16xi32>], vector<16xf32>, vector<16xi1>
        %add3A_285 = arith.constant 32768 : i32
        %add3A_286 = vector.broadcast %add3A_285 : i32 to vector<16xi32>
        %add3A_287 = arith.addi %and3A_266, %add3A_286 : vector<16xi32>
        tpu.vector_store_idx %arg5[%add3A_287], %gather3A_284 masked %lt3A_270 : memref<114688xf32, #tpu.memory_space<vmem>>[vector<16xi32>], vector<16xf32>, vector<16xi1>
        %broadcast_in_dim3A_288 = arith.constant 3 : i32
        %broadcast_in_dim3A_289 = vector.broadcast %broadcast_in_dim3A_288 : i32 to vector<16xi32>
        %gather3A_290 = tpu.vector_load_idx %arg8[%broadcast_in_dim3A_289, %shift_right_logical3A_263] masked %lt3A_270 : memref<7x640xf32, #tpu.memory_space<vmem>>[vector<16xi32>, vector<16xi32>], vector<16xf32>, vector<16xi1>
        %add3A_291 = arith.constant 49152 : i32
        %add3A_292 = vector.broadcast %add3A_291 : i32 to vector<16xi32>
        %add3A_293 = arith.addi %and3A_266, %add3A_292 : vector<16xi32>
        tpu.vector_store_idx %arg5[%add3A_293], %gather3A_290 masked %lt3A_270 : memref<114688xf32, #tpu.memory_space<vmem>>[vector<16xi32>], vector<16xf32>, vector<16xi1>
        %broadcast_in_dim3A_294 = arith.constant 4 : i32
        %broadcast_in_dim3A_295 = vector.broadcast %broadcast_in_dim3A_294 : i32 to vector<16xi32>
        %gather3A_296 = tpu.vector_load_idx %arg8[%broadcast_in_dim3A_295, %shift_right_logical3A_263] masked %lt3A_270 : memref<7x640xf32, #tpu.memory_space<vmem>>[vector<16xi32>, vector<16xi32>], vector<16xf32>, vector<16xi1>
        %add3A_297 = arith.constant 65536 : i32
        %add3A_298 = vector.broadcast %add3A_297 : i32 to vector<16xi32>
        %add3A_299 = arith.addi %and3A_266, %add3A_298 : vector<16xi32>
        tpu.vector_store_idx %arg5[%add3A_299], %gather3A_296 masked %lt3A_270 : memref<114688xf32, #tpu.memory_space<vmem>>[vector<16xi32>], vector<16xf32>, vector<16xi1>
        %broadcast_in_dim3A_300 = arith.constant 5 : i32
        %broadcast_in_dim3A_301 = vector.broadcast %broadcast_in_dim3A_300 : i32 to vector<16xi32>
        %gather3A_302 = tpu.vector_load_idx %arg8[%broadcast_in_dim3A_301, %shift_right_logical3A_263] masked %lt3A_270 : memref<7x640xf32, #tpu.memory_space<vmem>>[vector<16xi32>, vector<16xi32>], vector<16xf32>, vector<16xi1>
        %add3A_303 = arith.constant 81920 : i32
        %add3A_304 = vector.broadcast %add3A_303 : i32 to vector<16xi32>
        %add3A_305 = arith.addi %and3A_266, %add3A_304 : vector<16xi32>
        tpu.vector_store_idx %arg5[%add3A_305], %gather3A_302 masked %lt3A_270 : memref<114688xf32, #tpu.memory_space<vmem>>[vector<16xi32>], vector<16xf32>, vector<16xi1>
        %broadcast_in_dim3A_306 = arith.constant 6 : i32
        %broadcast_in_dim3A_307 = vector.broadcast %broadcast_in_dim3A_306 : i32 to vector<16xi32>
        %gather3A_308 = tpu.vector_load_idx %arg8[%broadcast_in_dim3A_307, %shift_right_logical3A_263] masked %lt3A_270 : memref<7x640xf32, #tpu.memory_space<vmem>>[vector<16xi32>, vector<16xi32>], vector<16xf32>, vector<16xi1>
        %add3A_309 = arith.constant 98304 : i32
        %add3A_310 = vector.broadcast %add3A_309 : i32 to vector<16xi32>
        %add3A_311 = arith.addi %and3A_266, %add3A_310 : vector<16xi32>
        tpu.vector_store_idx %arg5[%add3A_311], %gather3A_308 masked %lt3A_270 : memref<114688xf32, #tpu.memory_space<vmem>>[vector<16xi32>], vector<16xf32>, vector<16xi1>
        %while3A_312 = arith.constant 0 : i32
        scf.yield %while3A_312 : i32
      }
      %while3A_254 = arith.constant 1 : i32
      %while3A_255 = scf.for %while3A_257 = %while3A_251 to %while3A_247 step %while3A_254 iter_args(%while3A_258 = %while3A_253) -> (i32)  : i32 {
        %mul3A_259 = arith.constant 16 : i32
        %mul3A_260 = arith.muli %while3A_257, %mul3A_259 : i32
        %get3A = arith.index_cast %mul3A_260 : i32 to index
        %get3A_261 = tpu.vector_load %arg11[%get3A] {strides = array<i32>} : memref<336xi32, #tpu.memory_space<vmem>>, vector<16xi32>,
        %shift_right_logical3A = arith.constant 14 : i32
        %shift_right_logical3A_262 = vector.broadcast %shift_right_logical3A : i32 to vector<16xi32>
        %shift_right_logical3A_263 = arith.shrui %get3A_261, %shift_right_logical3A_262 : vector<16xi32>
        %and3A_264 = arith.constant 16383 : i32
        %and3A_265 = vector.broadcast %and3A_264 : i32 to vector<16xi32>
        %and3A_266 = arith.andi %get3A_261, %and3A_265 : vector<16xi32>
        %add3A_267 = vector.broadcast %mul3A_260 : i32 to vector<16xi32>
        %add3A_268 = arith.addi %iota3A_171, %add3A_267 : vector<16xi32>
        %lt3A_269 = vector.broadcast %scan3A_178#1 : i32 to vector<16xi32>
        %lt3A_270 = arith.cmpi slt, %add3A_268, %lt3A_269 : vector<16xi32>
        %broadcast_in_dim3A_271 = arith.constant 0 : i32
        %broadcast_in_dim3A_272 = vector.broadcast %broadcast_in_dim3A_271 : i32 to vector<16xi32>
        %gather3A = tpu.vector_load_idx %arg8[%broadcast_in_dim3A_272, %shift_right_logical3A_263] masked %lt3A_270 : memref<7x640xf32, #tpu.memory_space<vmem>>[vector<16xi32>, vector<16xi32>], vector<16xf32>, vector<16xi1>
        %add3A_273 = arith.constant 0 : i32
        %add3A_274 = vector.broadcast %add3A_273 : i32 to vector<16xi32>
        %add3A_275 = arith.addi %and3A_266, %add3A_274 : vector<16xi32>
        tpu.vector_store_idx %arg5[%add3A_275], %gather3A masked %lt3A_270 : memref<114688xf32, #tpu.memory_space<vmem>>[vector<16xi32>], vector<16xf32>, vector<16xi1>
        %broadcast_in_dim3A_276 = arith.constant 1 : i32
        %broadcast_in_dim3A_277 = vector.broadcast %broadcast_in_dim3A_276 : i32 to vector<16xi32>
        %gather3A_278 = tpu.vector_load_idx %arg8[%broadcast_in_dim3A_277, %shift_right_logical3A_263] masked %lt3A_270 : memref<7x640xf32, #tpu.memory_space<vmem>>[vector<16xi32>, vector<16xi32>], vector<16xf32>, vector<16xi1>
        %add3A_279 = arith.constant 16384 : i32
        %add3A_280 = vector.broadcast %add3A_279 : i32 to vector<16xi32>
        %add3A_281 = arith.addi %and3A_266, %add3A_280 : vector<16xi32>
        tpu.vector_store_idx %arg5[%add3A_281], %gather3A_278 masked %lt3A_270 : memref<114688xf32, #tpu.memory_space<vmem>>[vector<16xi32>], vector<16xf32>, vector<16xi1>
        %broadcast_in_dim3A_282 = arith.constant 2 : i32
        %broadcast_in_dim3A_283 = vector.broadcast %broadcast_in_dim3A_282 : i32 to vector<16xi32>
        %gather3A_284 = tpu.vector_load_idx %arg8[%broadcast_in_dim3A_283, %shift_right_logical3A_263] masked %lt3A_270 : memref<7x640xf32, #tpu.memory_space<vmem>>[vector<16xi32>, vector<16xi32>], vector<16xf32>, vector<16xi1>
        %add3A_285 = arith.constant 32768 : i32
        %add3A_286 = vector.broadcast %add3A_285 : i32 to vector<16xi32>
        %add3A_287 = arith.addi %and3A_266, %add3A_286 : vector<16xi32>
        tpu.vector_store_idx %arg5[%add3A_287], %gather3A_284 masked %lt3A_270 : memref<114688xf32, #tpu.memory_space<vmem>>[vector<16xi32>], vector<16xf32>, vector<16xi1>
        %broadcast_in_dim3A_288 = arith.constant 3 : i32
        %broadcast_in_dim3A_289 = vector.broadcast %broadcast_in_dim3A_288 : i32 to vector<16xi32>
        %gather3A_290 = tpu.vector_load_idx %arg8[%broadcast_in_dim3A_289, %shift_right_logical3A_263] masked %lt3A_270 : memref<7x640xf32, #tpu.memory_space<vmem>>[vector<16xi32>, vector<16xi32>], vector<16xf32>, vector<16xi1>
        %add3A_291 = arith.constant 49152 : i32
        %add3A_292 = vector.broadcast %add3A_291 : i32 to vector<16xi32>
        %add3A_293 = arith.addi %and3A_266, %add3A_292 : vector<16xi32>
        tpu.vector_store_idx %arg5[%add3A_293], %gather3A_290 masked %lt3A_270 : memref<114688xf32, #tpu.memory_space<vmem>>[vector<16xi32>], vector<16xf32>, vector<16xi1>
        %broadcast_in_dim3A_294 = arith.constant 4 : i32
        %broadcast_in_dim3A_295 = vector.broadcast %broadcast_in_dim3A_294 : i32 to vector<16xi32>
        %gather3A_296 = tpu.vector_load_idx %arg8[%broadcast_in_dim3A_295, %shift_right_logical3A_263] masked %lt3A_270 : memref<7x640xf32, #tpu.memory_space<vmem>>[vector<16xi32>, vector<16xi32>], vector<16xf32>, vector<16xi1>
        %add3A_297 = arith.constant 65536 : i32
        %add3A_298 = vector.broadcast %add3A_297 : i32 to vector<16xi32>
        %add3A_299 = arith.addi %and3A_266, %add3A_298 : vector<16xi32>
        tpu.vector_store_idx %arg5[%add3A_299], %gather3A_296 masked %lt3A_270 : memref<114688xf32, #tpu.memory_space<vmem>>[vector<16xi32>], vector<16xf32>, vector<16xi1>
        %broadcast_in_dim3A_300 = arith.constant 5 : i32
        %broadcast_in_dim3A_301 = vector.broadcast %broadcast_in_dim3A_300 : i32 to vector<16xi32>
        %gather3A_302 = tpu.vector_load_idx %arg8[%broadcast_in_dim3A_301, %shift_right_logical3A_263] masked %lt3A_270 : memref<7x640xf32, #tpu.memory_space<vmem>>[vector<16xi32>, vector<16xi32>], vector<16xf32>, vector<16xi1>
        %add3A_303 = arith.constant 81920 : i32
        %add3A_304 = vector.broadcast %add3A_303 : i32 to vector<16xi32>
        %add3A_305 = arith.addi %and3A_266, %add3A_304 : vector<16xi32>
        tpu.vector_store_idx %arg5[%add3A_305], %gather3A_302 masked %lt3A_270 : memref<114688xf32, #tpu.memory_space<vmem>>[vector<16xi32>], vector<16xf32>, vector<16xi1>
        %broadcast_in_dim3A_306 = arith.constant 6 : i32
        %broadcast_in_dim3A_307 = vector.broadcast %broadcast_in_dim3A_306 : i32 to vector<16xi32>
        %gather3A_308 = tpu.vector_load_idx %arg8[%broadcast_in_dim3A_307, %shift_right_logical3A_263] masked %lt3A_270 : memref<7x640xf32, #tpu.memory_space<vmem>>[vector<16xi32>, vector<16xi32>], vector<16xf32>, vector<16xi1>
        %add3A_309 = arith.constant 98304 : i32
        %add3A_310 = vector.broadcast %add3A_309 : i32 to vector<16xi32>
        %add3A_311 = arith.addi %and3A_266, %add3A_310 : vector<16xi32>
        tpu.vector_store_idx %arg5[%add3A_311], %gather3A_308 masked %lt3A_270 : memref<114688xf32, #tpu.memory_space<vmem>>[vector<16xi32>], vector<16xf32>, vector<16xi1>
        %while3A_312 = arith.constant 0 : i32
        scf.yield %while3A_312 : i32
      }
      %scan3A_256 = arith.constant 0 : i32
      scf.yield %scan3A_256 : i32
    }
    %scan3A_41 = arith.constant 94 : i32
    "tpu.region"() ({
      %run_scoped3A = tpu.sem_alloc : memref<!tpu.dma_semaphore, #tpu.memory_space<semaphore_mem>>
      %dma_start3A_42 = arith.constant 0 : i32
      %dma_start3A_43 = tpu.memref_slice %arg4[%add3A, %dma_start3A_42] : memref<32x114688xf32, #tpu.memory_space<hbm>> -> memref<1x114688xf32, #tpu.memory_space<hbm>>
      %dma_start3A_44 = tpu.memref_squeeze %dma_start3A_43 : memref<1x114688xf32, #tpu.memory_space<hbm>> -> memref<114688xf32, #tpu.memory_space<hbm>>
      %dma_start3A_45 = arith.constant 0 : i32
      %dma_start3A_46 = tpu.memref_slice %arg4[%add3A, %dma_start3A_45] : memref<32x114688xf32, #tpu.memory_space<hbm>> -> memref<1x114688xf32, #tpu.memory_space<hbm>>
      %dma_start3A_47 = tpu.memref_squeeze %dma_start3A_46 : memref<1x114688xf32, #tpu.memory_space<hbm>> -> memref<114688xf32, #tpu.memory_space<hbm>>
      tpu.enqueue_dma source(%arg5 : memref<114688xf32, #tpu.memory_space<vmem>>) target(%dma_start3A_47 : memref<114688xf32, #tpu.memory_space<hbm>>) target_semaphore(%run_scoped3A : memref<!tpu.dma_semaphore, #tpu.memory_space<semaphore_mem>>)
      %dma_wait3A = arith.constant 0 : i32
      %dma_wait3A_48 = tpu.memref_slice %arg4[%add3A, %dma_wait3A] : memref<32x114688xf32, #tpu.memory_space<hbm>> -> memref<1x114688xf32, #tpu.memory_space<hbm>>
      %dma_wait3A_49 = tpu.memref_squeeze %dma_wait3A_48 : memref<1x114688xf32, #tpu.memory_space<hbm>> -> memref<114688xf32, #tpu.memory_space<hbm>>
      %dma_wait3A_50 = arith.constant 0 : i32
      %dma_wait3A_51 = tpu.memref_slice %arg4[%add3A, %dma_wait3A_50] : memref<32x114688xf32, #tpu.memory_space<hbm>> -> memref<1x114688xf32, #tpu.memory_space<hbm>>
      %dma_wait3A_52 = tpu.memref_squeeze %dma_wait3A_51 : memref<1x114688xf32, #tpu.memory_space<hbm>> -> memref<114688xf32, #tpu.memory_space<hbm>>
      tpu.wait_dma2 semaphore(%run_scoped3A : memref<!tpu.dma_semaphore, #tpu.memory_space<semaphore_mem>>) src(%arg5 : memref<114688xf32, #tpu.memory_space<vmem>>) dst(%dma_wait3A_52 : memref<114688xf32, #tpu.memory_space<hbm>>)
      tpu.yield
    }) : () -> ()
    return
  }
}

module attributes {stable_mosaic.version = 14 : i64} {
  func.func @_tc_body(%arg0: i32, %arg1: memref<1xi32, #tpu.memory_space<smem>>, %arg2: memref<5x8x1280xf32, #tpu.memory_space<vmem>>, %arg3: memref<7x8x1280xf32, #tpu.memory_space<vmem>>, %arg4: memref<1x8x1280xi32, #tpu.memory_space<vmem>>) attributes {dimension_semantics = [#tpu.dimension_semantics<arbitrary>], iteration_bounds = array<i64: 47>, scalar_prefetch = 0 : i64, scratch_operands = 0 : i64, tpu.core_type = #tpu.core_type<tc>, window_params = [{transform_indices = @transform_0, window_bounds = array<i64: 1>}, {transform_indices = @transform_1, window_bounds = array<i64: 5, 8, 1280>}, {transform_indices = @transform_2, window_bounds = array<i64: 7, 8, 1280>}, {transform_indices = @transform_3, window_bounds = array<i64: 1, 8, 1280>}]} {
    %get3A = arith.constant 0 : index
    %get3A_0 = memref.load %arg1[%get3A] : memref<1xi32, #tpu.memory_space<smem>>
    %get3A_1 = arith.constant 0 : index
    %get3A_2 = arith.constant 0 : index
    %get3A_3 = arith.constant 0 : index
    %get3A_4 = vector.load %arg2[%get3A_1, %get3A_2, %get3A_3] : memref<5x8x1280xf32, #tpu.memory_space<vmem>>, vector<1x8x1280xf32>
    %get3A_5 = vector.shape_cast %get3A_4 : vector<1x8x1280xf32> to vector<8x1280xf32>
    %get3A_6 = arith.constant 1 : index
    %get3A_7 = arith.constant 0 : index
    %get3A_8 = arith.constant 0 : index
    %get3A_9 = vector.load %arg2[%get3A_6, %get3A_7, %get3A_8] : memref<5x8x1280xf32, #tpu.memory_space<vmem>>, vector<1x8x1280xf32>
    %get3A_10 = vector.shape_cast %get3A_9 : vector<1x8x1280xf32> to vector<8x1280xf32>
    %get3A_11 = arith.constant 2 : index
    %get3A_12 = arith.constant 0 : index
    %get3A_13 = arith.constant 0 : index
    %get3A_14 = vector.load %arg2[%get3A_11, %get3A_12, %get3A_13] : memref<5x8x1280xf32, #tpu.memory_space<vmem>>, vector<1x8x1280xf32>
    %get3A_15 = vector.shape_cast %get3A_14 : vector<1x8x1280xf32> to vector<8x1280xf32>
    %get3A_16 = arith.constant 3 : index
    %get3A_17 = arith.constant 0 : index
    %get3A_18 = arith.constant 0 : index
    %get3A_19 = vector.load %arg2[%get3A_16, %get3A_17, %get3A_18] : memref<5x8x1280xf32, #tpu.memory_space<vmem>>, vector<1x8x1280xf32>
    %get3A_20 = vector.shape_cast %get3A_19 : vector<1x8x1280xf32> to vector<8x1280xf32>
    %get3A_21 = arith.constant 4 : index
    %get3A_22 = arith.constant 0 : index
    %get3A_23 = arith.constant 0 : index
    %get3A_24 = vector.load %arg2[%get3A_21, %get3A_22, %get3A_23] : memref<5x8x1280xf32, #tpu.memory_space<vmem>>, vector<1x8x1280xf32>
    %get3A_25 = vector.shape_cast %get3A_24 : vector<1x8x1280xf32> to vector<8x1280xf32>
    %mul3A = arith.mulf %get3A_10, %get3A_10 : vector<8x1280xf32>
    %mul3A_26 = arith.mulf %get3A_15, %get3A_15 : vector<8x1280xf32>
    %add3A = arith.addf %mul3A, %mul3A_26 : vector<8x1280xf32>
    %mul3A_27 = arith.mulf %get3A_20, %get3A_20 : vector<8x1280xf32>
    %add3A_28 = arith.addf %add3A, %mul3A_27 : vector<8x1280xf32>
    %sqrt3A = math.sqrt %add3A_28 : vector<8x1280xf32>
    %atan23A = math.atan2 %get3A_15, %get3A_10 : vector<8x1280xf32>
    %neg3A = arith.constant 0.000000e+00 : f32
    %neg3A_29 = vector.broadcast %neg3A : f32 to vector<8x1280xf32>
    %neg3A_30 = arith.subf %neg3A_29, %atan23A : vector<8x1280xf32>
    %max3A = arith.constant 9.99999974E-6 : f32
    %max3A_31 = vector.broadcast %max3A : f32 to vector<8x1280xf32>
    %max3A_32 = arith.maximumf %sqrt3A, %max3A_31 : vector<8x1280xf32>
    %div3A = arith.divf %get3A_20, %max3A_32 : vector<8x1280xf32>
    %add3A_33 = arith.constant 1.000000e+00 : f32
    %add3A_34 = vector.broadcast %add3A_33 : f32 to vector<8x1280xf32>
    %add3A_35 = arith.addf %add3A_34, %div3A : vector<8x1280xf32>
    %sub3A = arith.constant 1.000000e+00 : f32
    %sub3A_36 = vector.broadcast %sub3A : f32 to vector<8x1280xf32>
    %sub3A_37 = arith.subf %sub3A_36, %div3A : vector<8x1280xf32>
    %mul3A_38 = arith.mulf %add3A_35, %sub3A_37 : vector<8x1280xf32>
    %sqrt3A_39 = math.sqrt %mul3A_38 : vector<8x1280xf32>
    %add3A_40 = arith.constant 1.000000e+00 : f32
    %add3A_41 = vector.broadcast %add3A_40 : f32 to vector<8x1280xf32>
    %add3A_42 = arith.addf %add3A_41, %sqrt3A_39 : vector<8x1280xf32>
    %atan23A_43 = math.atan2 %div3A, %add3A_42 : vector<8x1280xf32>
    %mul3A_44 = arith.constant 2.000000e+00 : f32
    %mul3A_45 = vector.broadcast %mul3A_44 : f32 to vector<8x1280xf32>
    %mul3A_46 = arith.mulf %mul3A_45, %atan23A_43 : vector<8x1280xf32>
    %neg3A_47 = arith.constant 0.000000e+00 : f32
    %neg3A_48 = vector.broadcast %neg3A_47 : f32 to vector<8x1280xf32>
    %neg3A_49 = arith.subf %neg3A_48, %mul3A_46 : vector<8x1280xf32>
    %sub3A_50 = arith.constant -3.14159274 : f32
    %sub3A_51 = vector.broadcast %sub3A_50 : f32 to vector<8x1280xf32>
    %sub3A_52 = arith.subf %neg3A_30, %sub3A_51 : vector<8x1280xf32>
    %div3A_53 = arith.constant 6.28318548 : f32
    %div3A_54 = vector.broadcast %div3A_53 : f32 to vector<8x1280xf32>
    %div3A_55 = arith.divf %sub3A_52, %div3A_54 : vector<8x1280xf32>
    %sub3A_56 = arith.constant -0.436332315 : f32
    %sub3A_57 = vector.broadcast %sub3A_56 : f32 to vector<8x1280xf32>
    %sub3A_58 = arith.subf %neg3A_49, %sub3A_57 : vector<8x1280xf32>
    %div3A_59 = arith.constant 0.488692194 : f32
    %div3A_60 = vector.broadcast %div3A_59 : f32 to vector<8x1280xf32>
    %div3A_61 = arith.divf %sub3A_58, %div3A_60 : vector<8x1280xf32>
    %ge3A = arith.constant 0.000000e+00 : f32
    %ge3A_62 = vector.broadcast %ge3A : f32 to vector<8x1280xf32>
    %ge3A_63 = arith.cmpf oge, %div3A_55, %ge3A_62 : vector<8x1280xf32>
    %lt3A = arith.constant 1.000000e+00 : f32
    %lt3A_64 = vector.broadcast %lt3A : f32 to vector<8x1280xf32>
    %lt3A_65 = arith.cmpf olt, %div3A_55, %lt3A_64 : vector<8x1280xf32>
    %and3A = arith.andi %ge3A_63, %lt3A_65 : vector<8x1280xi1>
    %ge3A_66 = arith.constant 0.000000e+00 : f32
    %ge3A_67 = vector.broadcast %ge3A_66 : f32 to vector<8x1280xf32>
    %ge3A_68 = arith.cmpf oge, %div3A_61, %ge3A_67 : vector<8x1280xf32>
    %and3A_69 = arith.andi %and3A, %ge3A_68 : vector<8x1280xi1>
    %lt3A_70 = arith.constant 1.000000e+00 : f32
    %lt3A_71 = vector.broadcast %lt3A_70 : f32 to vector<8x1280xf32>
    %lt3A_72 = arith.cmpf olt, %div3A_61, %lt3A_71 : vector<8x1280xf32>
    %and3A_73 = arith.andi %and3A_69, %lt3A_72 : vector<8x1280xi1>
    %convert_element_type3A = arith.fptosi %get3A_5 : vector<8x1280xf32> to vector<8x1280xi32>
    %convert_element_type3A_74 = arith.sitofp %convert_element_type3A : vector<8x1280xi32> to vector<8x1280xf32>
    %eq3A = arith.cmpf oeq, %convert_element_type3A_74, %get3A_5 : vector<8x1280xf32>
    %ge3A_75 = arith.constant 0 : i32
    %ge3A_76 = vector.broadcast %ge3A_75 : i32 to vector<8x1280xi32>
    %ge3A_77 = arith.cmpi sge, %convert_element_type3A, %ge3A_76 : vector<8x1280xi32>
    %and3A_78 = arith.andi %eq3A, %ge3A_77 : vector<8x1280xi1>
    %lt3A_79 = vector.broadcast %get3A_0 : i32 to vector<8x1280xi32>
    %lt3A_80 = arith.cmpi slt, %convert_element_type3A, %lt3A_79 : vector<8x1280xi32>
    %and3A_81 = arith.andi %and3A_78, %lt3A_80 : vector<8x1280xi1>
    %and3A_82 = arith.andi %and3A_73, %and3A_81 : vector<8x1280xi1>
    %mul3A_83 = arith.constant 1.800000e+03 : f32
    %mul3A_84 = vector.broadcast %mul3A_83 : f32 to vector<8x1280xf32>
    %mul3A_85 = arith.mulf %div3A_55, %mul3A_84 : vector<8x1280xf32>
    %convert_element_type3A_86 = arith.fptosi %mul3A_85 : vector<8x1280xf32> to vector<8x1280xi32>
    %mul3A_87 = arith.constant 6.400000e+01 : f32
    %mul3A_88 = vector.broadcast %mul3A_87 : f32 to vector<8x1280xf32>
    %mul3A_89 = arith.mulf %div3A_61, %mul3A_88 : vector<8x1280xf32>
    %convert_element_type3A_90 = arith.fptosi %mul3A_89 : vector<8x1280xf32> to vector<8x1280xi32>
    %shift_right_logical3A = arith.constant 8 : i32
    %shift_right_logical3A_91 = vector.broadcast %shift_right_logical3A : i32 to vector<8x1280xi32>
    %shift_right_logical3A_92 = arith.shrui %convert_element_type3A_86, %shift_right_logical3A_91 : vector<8x1280xi32>
    %and3A_93 = arith.constant 255 : i32
    %and3A_94 = vector.broadcast %and3A_93 : i32 to vector<8x1280xi32>
    %and3A_95 = arith.andi %convert_element_type3A_86, %and3A_94 : vector<8x1280xi32>
    %mul3A_96 = arith.constant 8 : i32
    %mul3A_97 = vector.broadcast %mul3A_96 : i32 to vector<8x1280xi32>
    %mul3A_98 = arith.muli %convert_element_type3A, %mul3A_97 : vector<8x1280xi32>
    %add3A_99 = arith.addi %mul3A_98, %shift_right_logical3A_92 : vector<8x1280xi32>
    %shift_left3A = arith.constant 14 : i32
    %shift_left3A_100 = vector.broadcast %shift_left3A : i32 to vector<8x1280xi32>
    %shift_left3A_101 = arith.shli %add3A_99, %shift_left3A_100 : vector<8x1280xi32>
    %shift_left3A_102 = arith.constant 8 : i32
    %shift_left3A_103 = vector.broadcast %shift_left3A_102 : i32 to vector<8x1280xi32>
    %shift_left3A_104 = arith.shli %convert_element_type3A_90, %shift_left3A_103 : vector<8x1280xi32>
    %or3A = arith.ori %shift_left3A_101, %shift_left3A_104 : vector<8x1280xi32>
    %or3A_105 = arith.ori %or3A, %and3A_95 : vector<8x1280xi32>
    %jit3A = arith.constant -16384 : i32
    %broadcast_in_dim3A = vector.broadcast %jit3A : i32 to vector<8x1280xi32>
    %select_n3A = arith.select %and3A_82, %or3A_105, %broadcast_in_dim3A : vector<8x1280xi1>, vector<8x1280xi32>
    %broadcast_in_dim3A_106 = vector.shape_cast %get3A_10 : vector<8x1280xf32> to vector<1x8x1280xf32>
    %broadcast_in_dim3A_107 = vector.shape_cast %get3A_15 : vector<8x1280xf32> to vector<1x8x1280xf32>
    %broadcast_in_dim3A_108 = vector.shape_cast %get3A_20 : vector<8x1280xf32> to vector<1x8x1280xf32>
    %broadcast_in_dim3A_109 = vector.shape_cast %sqrt3A : vector<8x1280xf32> to vector<1x8x1280xf32>
    %broadcast_in_dim3A_110 = vector.shape_cast %neg3A_30 : vector<8x1280xf32> to vector<1x8x1280xf32>
    %broadcast_in_dim3A_111 = vector.shape_cast %neg3A_49 : vector<8x1280xf32> to vector<1x8x1280xf32>
    %broadcast_in_dim3A_112 = vector.shape_cast %get3A_25 : vector<8x1280xf32> to vector<1x8x1280xf32>
    %concatenate3A = tpu.concatenate %broadcast_in_dim3A_106, %broadcast_in_dim3A_107, %broadcast_in_dim3A_108, %broadcast_in_dim3A_109, %broadcast_in_dim3A_110, %broadcast_in_dim3A_111, %broadcast_in_dim3A_112 in 0 : vector<1x8x1280xf32>, vector<1x8x1280xf32>, vector<1x8x1280xf32>, vector<1x8x1280xf32>, vector<1x8x1280xf32>, vector<1x8x1280xf32>, vector<1x8x1280xf32> -> vector<7x8x1280xf32>
    %swap3A = arith.constant 0 : index
    %swap3A_113 = arith.constant 0 : index
    %swap3A_114 = arith.constant 0 : index
    %swap3A_115 = vector.load %arg3[%swap3A, %swap3A_113, %swap3A_114] : memref<7x8x1280xf32, #tpu.memory_space<vmem>>, vector<7x8x1280xf32>
    tpu.vector_store %arg3[%swap3A, %swap3A_113, %swap3A_114], %concatenate3A {strides = array<i32>} : memref<7x8x1280xf32, #tpu.memory_space<vmem>>, vector<7x8x1280xf32>,
    %broadcast_in_dim3A_116 = vector.shape_cast %select_n3A : vector<8x1280xi32> to vector<1x8x1280xi32>
    %swap3A_117 = arith.constant 0 : index
    %swap3A_118 = arith.constant 0 : index
    %swap3A_119 = arith.constant 0 : index
    %swap3A_120 = vector.load %arg4[%swap3A_117, %swap3A_118, %swap3A_119] : memref<1x8x1280xi32, #tpu.memory_space<vmem>>, vector<1x8x1280xi32>
    tpu.vector_store %arg4[%swap3A_117, %swap3A_118, %swap3A_119], %broadcast_in_dim3A_116 {strides = array<i32>} : memref<1x8x1280xi32, #tpu.memory_space<vmem>>, vector<1x8x1280xi32>,
    return
  }
  func.func @transform_0(%arg0: i32) -> i32 {
    %c0_i32 = arith.constant 0 : i32
    %c0_i32_0 = arith.constant 0 : i32
    return %c0_i32 : i32
  }
  func.func @transform_1(%arg0: i32) -> (i32, i32, i32) {
    %c0_i32 = arith.constant 0 : i32
    %c0_i32_0 = arith.constant 0 : i32
    %c0_i32_1 = arith.constant 0 : i32
    return %c0_i32, %c0_i32_0, %arg0 : i32, i32, i32
  }
  func.func @transform_2(%arg0: i32) -> (i32, i32, i32) {
    %c0_i32 = arith.constant 0 : i32
    %c0_i32_0 = arith.constant 0 : i32
    %c0_i32_1 = arith.constant 0 : i32
    return %c0_i32, %c0_i32_0, %arg0 : i32, i32, i32
  }
  func.func @transform_3(%arg0: i32) -> (i32, i32, i32) {
    %c0_i32 = arith.constant 0 : i32
    %c0_i32_0 = arith.constant 0 : i32
    %c0_i32_1 = arith.constant 0 : i32
    return %c0_i32, %c0_i32_0, %arg0 : i32, i32, i32
  }
}

</mosaic_0001>

<sc_bundles>
// kernel: kernel.4.cloned.1.call-start
scs
__scs_entry_jumppad:
0x0: {  	(pc) =	sbr.rel $0x88, $3  }
0x1: {  	(tag) =	ssettag $0x0;
	lr =	simm.s32 $0x1  }
0x2: {  	[smem:$0x3F9F] =	sst lr;
	_ =	strace $0xD0000000  }
0x3: {  	_ = 	snop  }
0x4: {  	_ = 	snop  }
0x5: {  	_ = 	snop  }
0x6: {  	_ = 	snop  }
0x7: {  	_ = 	snop  }
__scs_overlays_trampoline_lowered:
0x8: {  	[smem:$0x3FAE] =	sst s0  }
0x9: {  	[smem:$0x3FAF] =	sst s1  }
0xa: {  	[smem:$0x3FB0] =	sst s2  }
0xb: {  	[smem:$0x3FB1] =	sst s3  }
0xc: {  	[smem:$0x3FB2] =	sst s4  }
0xd: {  	[smem:$0x3FB3] =	sst s5  }
0xe: {  	[smem:$0x3FB4] =	sst s6  }
0xf: {  	[smem:$0x3FB5] =	sst s7  }
0x10: {  	[smem:$0x3FB6] =	sst s8  }
0x11: {  	[smem:$0x3FB7] =	sst s9;
	s0 =	simm.s32 @!p0 $0x0  }
0x12: {  	s1 =	sld [smem:$0x3F9D];
	s0 =	simm.s32 @p0 $0x1  }
0x13: {  	[smem:$0x3FB8] =	sst s0;
	s0 =	simm.s32 @!p1 $0x0  }
0x14: {  	s2 =	sld [smem:$0x3F9C];
	s0 =	simm.s32 @p1 $0x1  }
0x15: {  	[smem:$0x3FB9] =	sst s0;
	s0 =	simm.s32 @!p2 $0x0  }
0x16: {  	s3 =	sld [smem:$0x3FDB];
	s0 =	simm.s32 @p2 $0x1  }
0x17: {  	s4 =	simm.s32 $0x1BF5;
	[smem:$0x3FBB] =	sst s0  }
0x18: {  	s0 =	sld [smem:$0x3F9E];
	_ =	swait.ge [sflag:s4], $0x0  }
0x19: {  	s7 =	sld [smem:$0x3F9F]  }
0x1a: {  	s8 =	sadd.s32 $0xFFFFE003, lr  }
0x1b: {  	s9 =	sadd.s32 $0xFFFFFEF7, lr;
	s5 =	simm.s32 $0xFFFFFFFF;
	p2 =	slt.u32 s8, $0xFFFFF086  }
0x1c: {  	p1 =	slt.u32 s9, $0xF7A;
	s5 =	simm.s32 @!p2 $0x0  }
0x1d: {  	s5 =	simm.s32 @p1 $0x1;
	p0 =	seq.s32 s7, s2  }
0x1e: {  	s7 =	smul.u32 @!p0 $0xF7A, s2;
	p2 =	seq.s32 @!p0 s5, $0x0  }
0x1f: {  	s9 =	smul.u32 $0xF7A, s1;
	s8 =	simm.s32 @!p0 $0x1BF5;
	p2 =	por !p2, p0  }
0x20: {  	[sflag:s8] =	ssyncset.s32 @!p0 $0xFFFFF086;
	s6 =	sadd.s32 @!p0 s3, s7;
	s7 =	simm.s32 @!p0 $0x108  }
0x21: {  	s3 =	sadd.s32 s3, s9;
	s6 =	sadd.s32 @!p0 $0x88, s6;
	s7 =	simm.s32 @p2 $0x1082  }
0x22: {  	[simem:s7], [sflag:s8] =	dma.local @!p0 [hbm:s6], $0xF7A  }
0x23: {  	s9 =	sor.u32 $0xD0000000, s2;
	s6 =	simm.s32 $0x108;
	_ =	swait.ge @!p0 [sflag:s8], $0x0  }
0x24: {  	s3 =	sadd.s32 $0x88, s3;
	s6 =	simm.s32 @!p1 $0x1082;
	[sflag:s4] =	ssyncset.s32 $0xFFFFF086  }
0x25: {  	[simem:s6], [sflag:s4] =	dma.local [hbm:s3], $0xF7A  }
0x26: {  	[smem:$0x3F9F] =	sst s1;
	(tag) =	ssettag s2;
	_ =	strace s9  }
0x27: {  	s1 =	sld [smem:$0x3FAF]  }
0x28: {  	s2 =	sld [smem:$0x3FB0]  }
0x29: {  	s4 =	sld [smem:$0x3FB2]  }
0x2a: {  	p0 =	seq.s32 s5, $0x0;
	s5 =	sld [smem:$0x3FB3]  }
0x2b: {  	s6 =	sld [smem:$0x3FB4]  }
0x2c: {  	s7 =	sld [smem:$0x3FB5]  }
0x2d: {  	s3 =	simm.s32 $0x108;
	s8 =	sld [smem:$0x3FB6]  }
0x2e: {  	s3 =	simm.s32 @!p0 $0x1082;
	s9 =	sld [smem:$0x3FB7]  }
0x2f: {  	lr =	sadd.s32 s0, s3;
	s0 =	sld [smem:$0x3FAE]  }
0x30: {  	s3 =	sld [smem:$0x3FB1]  }
0x31: {  	[smem:$0x3FBA] =	sst s10  }
0x32: {  	s10 =	sld [smem:$0x3FB8];
	_ =	sdelay $0x3  }
0x33: {  	p0 =	seq.s32 s10, $0x1;
	s10 =	sld [smem:$0x3FBA];
	_ =	sdelay $0x3  }
0x34: {  	[smem:$0x3FBA] =	sst s10  }
0x35: {  	s10 =	sld [smem:$0x3FB9];
	_ =	sdelay $0x3  }
0x36: {  	p1 =	seq.s32 s10, $0x1;
	s10 =	sld [smem:$0x3FBA];
	_ =	sdelay $0x3  }
0x37: {  	[smem:$0x3FBA] =	sst s10  }
0x38: {  	s10 =	sld [smem:$0x3FBB]  }
0x39: {  	_ = 	snop;
	(pc) =	sbr.ind lr, $3  }
0x3a: {  	_ = 	snop  }
0x3b: {  	_ = 	snop  }
0x3c: {  	p2 =	seq.s32 s10, $0x1;
	s10 =	sld [smem:$0x3FBA]  }
0x3d: {  	_ =	shalt  }
0x3e: {  	_ =	shalt  }
0x3f: {  	_ =	shalt  }
0x40: {  	_ =	shalt  }
0x41: {  	_ =	shalt  }
0x42: {  	_ =	shalt  }
0x43: {  	_ =	shalt  }
0x44: {  	_ =	shalt  }
0x45: {  	_ =	shalt  }
0x46: {  	_ =	shalt  }
0x47: {  	_ =	shalt  }
0x48: {  	_ =	shalt  }
0x49: {  	_ =	shalt  }
0x4a: {  	_ =	shalt  }
0x4b: {  	_ =	shalt  }
0x4c: {  	_ =	shalt  }
0x4d: {  	_ =	shalt  }
0x4e: {  	_ =	shalt  }
0x4f: {  	_ =	shalt  }
0x50: {  	_ =	shalt  }
0x51: {  	_ =	shalt  }
0x52: {  	_ =	shalt  }
0x53: {  	_ =	shalt  }
0x54: {  	_ =	shalt  }
0x55: {  	_ =	shalt  }
0x56: {  	_ =	shalt  }
0x57: {  	_ =	shalt  }
0x58: {  	_ =	shalt  }
0x59: {  	_ =	shalt  }
0x5a: {  	_ =	shalt  }
0x5b: {  	_ =	shalt  }
0x5c: {  	_ =	shalt  }
0x5d: {  	_ =	shalt  }
0x5e: {  	_ =	shalt  }
0x5f: {  	_ =	shalt  }
0x60: {  	_ =	shalt  }
0x61: {  	_ =	shalt  }
0x62: {  	_ =	shalt  }
0x63: {  	_ =	shalt  }
0x64: {  	_ =	shalt  }
0x65: {  	_ =	shalt  }
0x66: {  	_ =	shalt  }
0x67: {  	_ =	shalt  }
0x68: {  	_ =	shalt  }
0x69: {  	_ =	shalt  }
0x6a: {  	_ =	shalt  }
0x6b: {  	_ =	shalt  }
0x6c: {  	_ =	shalt  }
0x6d: {  	_ =	shalt  }
0x6e: {  	_ =	shalt  }
0x6f: {  	_ =	shalt  }
0x70: {  	_ =	shalt  }
0x71: {  	_ =	shalt  }
0x72: {  	_ =	shalt  }
0x73: {  	_ =	shalt  }
0x74: {  	_ =	shalt  }
0x75: {  	_ =	shalt  }
0x76: {  	_ =	shalt  }
0x77: {  	_ =	shalt  }
0x78: {  	_ =	shalt  }
0x79: {  	_ =	shalt  }
0x7a: {  	_ =	shalt  }
0x7b: {  	_ =	shalt  }
0x7c: {  	_ =	shalt  }
0x7d: {  	_ =	shalt  }
0x7e: {  	_ =	shalt  }
0x7f: {  	_ =	shalt  }
0x80: {  	_ =	shalt  }
0x81: {  	_ =	shalt  }
0x82: {  	_ =	shalt  }
0x83: {  	_ =	shalt  }
0x84: {  	_ =	shalt  }
0x85: {  	_ =	shalt  }
0x86: {  	_ =	shalt  }
0x87: {  	_ =	shalt  }
.Lfunc_end0:
.L_simem_size_0:
called_computation_lowered:
.L_overlay_start_0:
0x88: {  	s2 =	sld [smem:$0x3FD9]  }
0x89: {  	s3 =	sld [smem:$0x3FFE];
	_ =	sdelay $0x1  }
0x8a: {  	s1 =	srdreg.scid  }
0x8b: {  	s0 =	sand.u32 $0x1, s1  }
0x8c: {  	s16 =	sshll.u32 s0, $0xA;
	s2 =	sadd.s32 s3, s2  }
0x8d: {  	s2 =	sadd.s32 s2, s16  }
0x8e: {  	[smem:$0x3FC6] =	sst s2  }
0x8f: {  	_ = 	snop  }
0x90: {  	(tm) =	ssettm $0x1  }
0x91: {  	s17 =	sld [smem:$0x3FFB];
	_ =	sdelay $0x3  }
0x92: {  	_ =	strace s17  }
0x93: {  	s2 =	sld [smem:$0x3FFC];
	_ =	sdelay $0x3  }
0x94: {  	_ =	strace s2  }
0x95: {  	s2 =	sld [smem:$0x3FFD];
	_ =	sdelay $0x3  }
0x96: {  	_ =	strace s2  }
0x97: {  	_ =	strace $0x8FFFFFFF  }
0x98: {  	s18 =	sld [smem:$0x3FDB];
	_ =	sdelay $0x1  }
0x99: {  	s19 =	simm.s32 $_scs_section_size  }
0x9a: {  	s4 =	simm.s32 $_size__tile_overlayer_lowered;
	s5 =	simm.s32 $_tile_overlayer_lowered  }
0x9b: {  	s22 =	simm.s32 $0x1BFF;
	s21 =	sshll.u32 s5, $0x1;
	s2 =	sadd.s32 s19, s18  }
0x9c: {  	s6 =	simm.s32 $0x0;
	s20 =	sshll.u32 s4, $0x1;
	s4 =	sadd.s32 s21, s2  }
0x9d: {  	[timem:s6], [sflag:s22] =	dma.local [hbm:s4], s20  }
0x9e: {  	_ =	swait.ge [sflag:s22], s20  }
0x9f: {  	s3 =	ssub.s32 $0x0, s20;
	[sflag:s22] =	ssyncset.done $0x0  }
0xa0: {  	[sflag:s22] =	ssyncadd.s32 s3;
	_ =	sdelay $0x1  }
0xa1: {  	s23 =	simm.s32 $0x1B8B  }
0xa2: {  	_ =	swait.ge [sflag:s23], $0x1  }
0xa3: {  	[sflag:s23] =	ssyncset.done $0x0  }
0xa4: {  	s25 =	simm.s32 $0x1B8E;
	s24 =	sld [smem:$0x3FFE];
	[sflag:s23] =	ssyncadd.s32 $0xFFFFFFFF  }
0xa5: {  	s26 =	simm.s32 $execute0_lowered;
	[smem:$0x3FD2] =	sst s25  }
0xa6: {  	s4 =	sshll.u32 s26, $0x1;
	_ =	strace $0x80000046;
	[dreg:$0x1] =	wrdreg $0xFFFFFFFF  }
0xa7: {  	s28 =	simm.s32 $_size_execute0_lowered;
	s2 =	sadd.s32 s2, s4;
	[dreg:$0x0] =	wrdreg $0x0  }
0xa8: {  	s4 =	sshll.u32 s28, $0x1;
	[dreg:$0x2] =	wrdreg s2  }
0xa9: {  	[dreg:$0x3] =	wrdreg s4  }
0xaa: {  	[dreg:$0x4] =	wrdreg $0xC0  }
0xab: {  	_ =	task [dreg:s6], $0x5FFFF  }
0xac: {  	[dreg:$0x1] =	wrdreg $0xFFFFFFFF  }
0xad: {  	[dreg:$0x0] =	wrdreg $0x60  }
0xae: {  	[dreg:$0x2] =	wrdreg s24  }
0xaf: {  	[dreg:$0x3] =	wrdreg $0x9  }
0xb0: {  	_ =	task.clear_ibuf [dreg:s6], $0x4FFFF;
	_ =	strace $0x90000046  }
0xb1: {  	s29 =	simm.s32 $0x9;
	_ =	strace $0x80000048  }
0xb2: {  	_ =	swait.ge [sflag:s29], $0x1  }
0xb3: {  	[sflag:s29] =	ssyncadd.s32 $0xFFFFFFFF  }
0xb4: {  	_ =	strace $0x90000048  }
0xb5: {  	_ =	sfence  }
0xb6: {  	s30 =	sld [smem:$0x0];
	_ =	sdelay $0x2  }
0xb7: {  	s31 =	sshll.u32 s1, $0xD;
	s1 =	sshrl.u32 s1, $0x2  }
0xb8: {  	s3 =	sand.u32 $0x4000, s31;
	s1 =	sadd.s32 s1, s30  }
0xb9: {  	s0 =	sor.u32 s3, s0;
	s1 =	sshll.u32 s1, $0x11  }
0xba: {  	s0 =	sor.u32 s1, s0  }
0xbb: {  	s0 =	sadd.s32 $0x8F2B, s0  }
0xbc: {  	[sflag:s0] =	ssyncadd.remote.s32 $0x1  }
0xbd: {  	_ =	sfence.sel $0xFFFF  }
0xbe: {  	[dreg:$0x0] =	wrdreg $0xFFFFFFFF;
	(pc) =	sbr.abs _section_cstart, $3  }
0xbf: {  	[dreg:$0x1] =	wrdreg $0xFFFFFFFF  }
0xc0: {  	_ =	task.clear_ibuf [dreg:s6], $0x2FFFF;
	_ =	strace $0x9FFFFFFF  }
0xc1: {  	(tm) =	ssettm $0x7FFFFFFF  }
tec
execute0_lowered:
.L_overlay_start_1:
0x0: {  	(tag) =	ssettag $0x1  }
0x1: {  	s1 =	srdreg.scid;
	s0 =	stileid.u32  }
0x2: {  	s5 =	rddreg [dreg:$0x0];
	s12 =	simm.s32 $0x1D400;
	s13 =	simm.s32 $0x1D680  }
0x3: {  	s14 =	simm.s32 $0x1EA80;
	s16 =	simm.s32 $0x2;
	s17 =	simm.s32 $0x80  }
0x4: {  	s18 =	simm.s32 $0x400;
	s19 =	simm.s32 $0x3;
	s20 =	simm.s32 $0x0  }
0x5: {  	s4 =	sand.u32 $0x1, s1;
	s2 =	sshll.u32 s0, $0x1;
	s6 =	sshrl.u32 s0, $0x2  }
0x6: {  	s1 =	rddreg [dreg:$0x1];
	s15 =	sor.u32 s4, s2;
	s7 =	smul.u32 $0xE0000, s6  }
0x7: {  	s2 =	simm.s32 $0x0;
	s30 =	ssub.s32 $0x2, s4;
	s9 =	smul.u32 $0x1D600, s6  }
0x8: {  	s4 =	sadd.s32 $0x600, s5;
	s3 =	sshll.u32 s15, $0x7;
	[smem:$0x7FF] =	sst s2  }
0x9: {  	s31 =	sshrl.u32 s30, $0x1;
	v0 =	vmov s15;
	s15 =	simm.s32 $0x1;
	s8 =	sand.u32 $0x380, s3  }
.Ltmp0:
0xa: {  	_ =	strace $0x80000047;
	s3 =	sadd.s32 $0xF200, s5;
	(pc) =	sbr.rel .LBB2_1-.Ltmp0, $4  }
0xb: {  	s11 =	ssub.s32 s30, s31;
	s6 =	sshrl.u32 s9, $0x3;
	s7 =	sor.u32 s7, s8  }
0xc: {  	s6 =	sadd.s32 s4, s6;
	s8 =	sadd.s32 $0x500, s9;
	s7 =	sshrl.u32 s7, $0x3  }
0xd: {  	v1 =	vlaneseq.u32;
	s10 =	sadd.s32 s7, s5;
	s5 =	sadd.s32 s3, s9;
	s7 =	sadd.s32 $0x280, s9  }
0xe: {  	v2 =	vimm.f32 $0.0e+00;
	v4 =	vimm.s32 $0x0;
	v3 =	vmul.u32 $0x4000, v1;
	s9 =	sadd.s32 $0x84A00, s10;
	s10 =	smax.u32 s11, $0x1;
	s11 =	simm.s32 $0x1C000  }
.LBB2_25:
0xf: {  	s20 =	sadd.s32 $0x1, s20  }
0x10: {  	p0 =	sne.s32 s20, s10  }
.Ltmp1:
0x11: {  	_ = 	snop;
	(pc) =	sbr.rel @!p0 .LBB2_26-.Ltmp1, $4  }
0x12: {  	[hbm4b:s9+s17] =	stream.strided.scatter [tilespmem:s2], [sflag:$0x3], $0x1C000, s18, s17, $0x38;
	[tilespmem:$0x1F000] =	vst v63  }
0x13: {  	_ =	swait.ge [sflag:s19], $0x1C000  }
0x14: {  	[sflag:s19] =	ssyncset.done $0x0  }
0x15: {  	[sflag:s19] =	ssyncadd.s32 $0xFFFE4000  }
.LBB2_1:
0x16: {  	s21 =	simm.s32 $0x40  }
0x17: {  	[tilespmem:s21+$0xFFFFFFC0] =	vst v2  }
0x18: {  	[tilespmem:s21+$0x30] =	vst v2  }
0x19: {  	[tilespmem:s21+$0x20] =	vst v2  }
0x1a: {  	[tilespmem:s21+$0x10] =	vst v2  }
0x1b: {  	[tilespmem:s21+$0x0] =	vst v2  }
0x1c: {  	[tilespmem:s21+$0xFFFFFFF0] =	vst v2  }
0x1d: {  	s22 =	simm.s32 $0x0;
	[tilespmem:s21+$0xFFFFFFE0] =	vst v2  }
.LBB2_2:
0x1e: {  	s22 =	sadd.s32 $0x2, s22;
	[tilespmem:s21+$0xFFFFFFD0] =	vst v2;
	s21 =	sadd.s32 $0x80, s21  }
0x1f: {  	[tilespmem:s21+$0xFFFFFFC0] =	vst v2;
	p0 =	slt.u32 s22, $0x6FE  }
0x20: {  	[tilespmem:s21+$0x30] =	vst v2  }
.Ltmp2:
0x21: {  	[tilespmem:s21+$0x20] =	vst v2;
	(pc) =	sbr.rel @p0 .LBB2_2-.Ltmp2, $4  }
0x22: {  	[tilespmem:s21+$0x10] =	vst v2  }
0x23: {  	[tilespmem:s21+$0x0] =	vst v2  }
0x24: {  	[tilespmem:s21+$0xFFFFFFF0] =	vst v2  }
0x25: {  	[tilespmem:s21+$0xFFFFFFE0] =	vst v2  }
.Ltmp3:
0x26: {  	(pc) =	sbr.rel .LBB2_4-.Ltmp3, $4  }
0x27: {  	[tilespmem:s21+$0xFFFFFFD0] =	vst v2;
	s21 =	simm.s32 $0x0  }
0x28: {  	[tilespmem:s11], [sflag:$0x1] =	stream.linear.gather [hbm4b:s5+s21], $0x1400, $0x38;
	[tilespmem:$0x1F000] =	vst v63  }
0x29: {  	s22 =	simm.s32 $0x0  }
0x2a: {  	[tilespmem:s12], [sflag:$0x1] =	stream.linear.gather [hbm4b:s6+s21], $0x280, $0x38;
	[tilespmem:$0x1F000] =	vst v63  }
.LBB2_23:
0x2b: {  	_ =	sdelay $0x4  }
0x2c: {  	[tilespmem:v7+s2+$0x0] =	vst.idx.msk vm0, v6  }
.LBB2_24:
0x2d: {  	s22 =	sadd.s32 $0x1, s22  }
0x2e: {  	p0 =	sne.s32 s22, $0x5E  }
.Ltmp4:
0x2f: {  	_ = 	snop;
	(pc) =	sbr.rel @!p0 .LBB2_25-.Ltmp4, $1  }
0x30: {  	_ =	sdelay $0x3  }
.LBB2_4:
0x31: {  	s23 =	smul.u32 $0x500, s22;
	_ =	sdelay $0x1  }
0x32: {  	s24 =	sadd.s32 s23, s7  }
0x33: {  	s25 =	sadd.s32 s3, s24;
	s24 =	sshrl.u32 s24, $0x3  }
0x34: {  	[tilespmem:s13], [sflag:$0x2] =	stream.linear.gather [hbm4b:s25+s21], $0x1400, $0x38;
	[tilespmem:$0x1F000] =	vst v63  }
0x35: {  	s24 =	sadd.s32 s4, s24  }
0x36: {  	[tilespmem:s14], [sflag:$0x2] =	stream.linear.gather [hbm4b:s24+s21], $0x280, $0x38;
	[tilespmem:$0x1F000] =	vst v63  }
0x37: {  	_ =	swait.ge [sflag:s15], $0x1400  }
0x38: {  	[sflag:s15] =	ssyncset.done $0x0  }
0x39: {  	[sflag:s15] =	ssyncadd.s32 $0xFFFFEC00  }
0x3a: {  	_ =	swait.ge [sflag:s15], $0x280  }
0x3b: {  	[sflag:s15] =	ssyncset.done $0x0  }
0x3c: {  	s24 =	simm.s32 $0x1D550;
	[sflag:s15] =	ssyncadd.s32 $0xFFFFFD80  }
0x3d: {  	v5 =	vld [tilespmem:s24+$0xFFFFFEB0];
	_ =	sdelay $0x4  }
0x3e: {  	v6 =	vshra.s32 v5, $0xE  }
0x3f: {  	vm0 =	veq.s32 v6, v0  }
0x40: {  	v6 =	vsel vm0, $0x1, v4  }
0x41: {  	(xrf0) =	vadd.scan.msk.s32 $0xffff, v6;
	v6 =	vmov s21  }
0x42: {  	v6 =	vshll.u32 v6, $0xE  }
0x43: {  	v5 =	vand.u32 $0x3FFF, v5;
	v6 =	vor.u32 v3, v6  }
0x44: {  	v5 =	vor.u32 v6, v5  }
0x45: {  	[tilespmem:s21+$0x1ED00] =	vst.msk vm0, v5  }
0x46: {  	v5 =	vld [tilespmem:s24+$0xFFFFFFF0]  }
0x47: {  	v6, _, _ =	vpop (xrf0)  }
0x48: {  	s26 =	simm.s32 $0x140;
	(v2sf) =	vpush v6, $0xF  }
0x49: {  	v6 =	vmov s26  }
0x4a: {  	v6 =	vshll.u32 v6, $0xE  }
0x4b: {  	v6 =	vor.u32 v3, v6;
	v7 =	vshra.s32 v5, $0xE;
	v5 =	vand.u32 $0x3FFF, v5  }
0x4c: {  	vm0 =	veq.s32 v7, v0;
	v5 =	vor.u32 v6, v5  }
0x4d: {  	v6 =	vsel vm0, $0x1, v4;
	[tilespmem:s21+$0x1EE80] =	vst.msk vm0, v5  }
0x4e: {  	(xrf0) =	vadd.scan.msk.s32 $0xffff, v6;
	v5 =	vld [tilespmem:s24+$0xFFFFFEC0];
	_ =	sdelay $0x4  }
0x4f: {  	v6 =	vshra.s32 v5, $0xE  }
0x50: {  	s31 =	simm.s32 $0x10;
	v7, _, _ =	vpop (xrf0);
	vm0 =	veq.s32 v6, v0  }
0x51: {  	v6 =	vmov s31;
	(v2sf) =	vpush v7, $0xF;
	v7 =	vsel vm0, $0x1, v4  }
0x52: {  	v6 =	vshll.u32 v6, $0xE;
	(xrf0) =	vadd.scan.msk.s32 $0xffff, v7  }
0x53: {  	v5 =	vand.u32 $0x3FFF, v5;
	v6 =	vor.u32 v3, v6;
	s26 =	spop (v2sf)  }
0x54: {  	v5 =	vor.u32 v6, v5;
	s26 =	sadd.s32 $0x0, s26  }
0x55: {  	[tilespmem:s26+$0x1ED00] =	vst.msk vm0, v5  }
0x56: {  	v5 =	vld [tilespmem:s24+$0x0];
	_ =	sdelay $0x1  }
0x57: {  	v6, _, _ =	vpop (xrf0)  }
0x58: {  	(v2sf) =	vpush v6, $0xF;
	_ =	sdelay $0x1  }
0x59: {  	v6 =	vshra.s32 v5, $0xE  }
0x5a: {  	vm0 =	veq.s32 v6, v0  }
0x5b: {  	s31 =	simm.s32 $0x150;
	v6 =	vsel vm0, $0x1, v4  }
0x5c: {  	(xrf0) =	vadd.scan.msk.s32 $0xffff, v6;
	v6 =	vmov s31  }
0x5d: {  	v6 =	vshll.u32 v6, $0xE  }
0x5e: {  	v5 =	vand.u32 $0x3FFF, v5;
	v6 =	vor.u32 v3, v6;
	s25 =	spop (v2sf)  }
0x5f: {  	s28 =	sadd.s32 $0x0, s25;
	v5 =	vor.u32 v6, v5  }
0x60: {  	s25 =	simm.s32 $0x1D570;
	[tilespmem:s28+$0x1EE80] =	vst.msk vm0, v5  }
0x61: {  	v5 =	vld [tilespmem:s25+$0xFFFFFEB0];
	_ =	sdelay $0x1  }
0x62: {  	s24 =	simm.s32 $0x20;
	v6, _, _ =	vpop (xrf0)  }
0x63: {  	(v2sf) =	vpush v6, $0xF;
	v6 =	vmov s24  }
0x64: {  	v6 =	vshll.u32 v6, $0xE  }
0x65: {  	v6 =	vor.u32 v3, v6;
	v7 =	vshra.s32 v5, $0xE;
	v5 =	vand.u32 $0x3FFF, v5;
	s29 =	spop (v2sf)  }
0x66: {  	vm0 =	veq.s32 v7, v0;
	v5 =	vor.u32 v6, v5;
	s29 =	sadd.s32 s26, s29  }
0x67: {  	[tilespmem:s29+$0x1ED00] =	vst.msk vm0, v5  }
0x68: {  	v6 =	vld [tilespmem:s25+$0xFFFFFFF0]  }
0x69: {  	v5 =	vsel vm0, $0x1, v4  }
0x6a: {  	(xrf0) =	vadd.scan.msk.s32 $0xffff, v5;
	_ =	sdelay $0x2  }
0x6b: {  	v7 =	vshra.s32 v6, $0xE;
	_ =	sdelay $0x2  }
0x6c: {  	vm0 =	veq.s32 v7, v0;
	v7, _, _ =	vpop (xrf0)  }
0x6d: {  	s31 =	simm.s32 $0x160;
	(v2sf) =	vpush v7, $0xF  }
0x6e: {  	v5 =	vmov s31  }
0x6f: {  	v5 =	vshll.u32 v5, $0xE  }
0x70: {  	v5 =	vor.u32 v3, v5;
	v6 =	vand.u32 $0x3FFF, v6;
	v8 =	vsel vm0, $0x1, v4  }
0x71: {  	s26 =	simm.s32 $0x2;
	v5 =	vor.u32 v5, v6;
	(xrf0) =	vadd.scan.msk.s32 $0xffff, v8;
	s30 =	spop (v2sf)  }
.LBB2_5:
0x72: {  	s26 =	sadd.s32 $0x2, s26;
	s28 =	sadd.s32 s28, s30  }
0x73: {  	p0 =	slt.u32 s26, $0x12;
	[tilespmem:s28+$0x1EE80] =	vst.msk vm0, v5  }
0x74: {  	v5 =	vld [tilespmem:s25+$0xFFFFFEC0];
	_ =	sdelay $0x2  }
0x75: {  	v6, _, _ =	vpop (xrf0)  }
0x76: {  	(v2sf) =	vpush v6, $0xF  }
0x77: {  	s30 =	sadd.s32 $0x10, s24;
	v6 =	vshra.s32 v5, $0xE;
	v5 =	vand.u32 $0x3FFF, v5  }
0x78: {  	vm0 =	veq.s32 v6, v0;
	v6 =	vmov s30  }
0x79: {  	v6 =	vshll.u32 v6, $0xE;
	v7 =	vsel vm0, $0x1, v4  }
0x7a: {  	v6 =	vor.u32 v3, v6;
	s30 =	spop (v2sf);
	(xrf0) =	vadd.scan.msk.s32 $0xffff, v7  }
0x7b: {  	s29 =	sadd.s32 s29, s30;
	v5 =	vor.u32 v6, v5  }
0x7c: {  	[tilespmem:s29+$0x1ED00] =	vst.msk vm0, v5  }
0x7d: {  	v5 =	vld [tilespmem:s25+$0x0];
	_ =	sdelay $0x2  }
0x7e: {  	v6, _, _ =	vpop (xrf0)  }
0x7f: {  	(v2sf) =	vpush v6, $0xF  }
0x80: {  	s30 =	sadd.s32 $0x150, s24;
	v6 =	vshra.s32 v5, $0xE;
	v5 =	vand.u32 $0x3FFF, v5  }
0x81: {  	vm0 =	veq.s32 v6, v0;
	v6 =	vmov s30  }
0x82: {  	v6 =	vshll.u32 v6, $0xE;
	v7 =	vsel vm0, $0x1, v4  }
0x83: {  	v6 =	vor.u32 v3, v6;
	s30 =	spop (v2sf);
	(xrf0) =	vadd.scan.msk.s32 $0xffff, v7  }
0x84: {  	s28 =	sadd.s32 s28, s30;
	v5 =	vor.u32 v6, v5  }
0x85: {  	s25 =	sadd.s32 $0x20, s25;
	[tilespmem:s28+$0x1EE80] =	vst.msk vm0, v5  }
0x86: {  	v5 =	vld [tilespmem:s25+$0xFFFFFEB0];
	_ =	sdelay $0x2  }
0x87: {  	v6, _, _ =	vpop (xrf0)  }
0x88: {  	(v2sf) =	vpush v6, $0xF  }
0x89: {  	s24 =	sadd.s32 $0x20, s24;
	v6 =	vshra.s32 v5, $0xE;
	v5 =	vand.u32 $0x3FFF, v5  }
0x8a: {  	vm0 =	veq.s32 v6, v0;
	v6 =	vmov s24  }
0x8b: {  	v6 =	vshll.u32 v6, $0xE;
	v7 =	vsel vm0, $0x1, v4  }
0x8c: {  	v6 =	vor.u32 v3, v6;
	(xrf0) =	vadd.scan.msk.s32 $0xffff, v7;
	s30 =	spop (v2sf)  }
0x8d: {  	v5 =	vor.u32 v6, v5;
	s29 =	sadd.s32 s29, s30  }
0x8e: {  	[tilespmem:s29+$0x1ED00] =	vst.msk vm0, v5  }
0x8f: {  	v5 =	vld [tilespmem:s25+$0xFFFFFFF0];
	_ =	sdelay $0x1  }
0x90: {  	s30 =	sadd.s32 $0x140, s24  }
0x91: {  	v6 =	vmov s30;
	v7, _, _ =	vpop (xrf0)  }
.Ltmp5:
0x92: {  	v6 =	vshll.u32 v6, $0xE;
	(v2sf) =	vpush v7, $0xF;
	(pc) =	sbr.rel @p0 .LBB2_5-.Ltmp5, $4  }
0x93: {  	v6 =	vor.u32 v3, v6;
	v7 =	vshra.s32 v5, $0xE;
	v5 =	vand.u32 $0x3FFF, v5  }
0x94: {  	vm0 =	veq.s32 v7, v0;
	v5 =	vor.u32 v6, v5  }
0x95: {  	v6 =	vsel vm0, $0x1, v4  }
0x96: {  	(xrf0) =	vadd.scan.msk.s32 $0xffff, v6;
	s30 =	spop (v2sf)  }
0x97: {  	s30 =	sadd.s32 s28, s30  }
0x98: {  	[tilespmem:s30+$0x1EE80] =	vst.msk vm0, v5  }
0x99: {  	v5 =	vld [tilespmem:s25+$0xFFFFFEC0];
	_ =	sdelay $0x4  }
0x9a: {  	v7 =	vshra.s32 v5, $0xE  }
0x9b: {  	vm14 =	veq.s32 v7, v0  }
0x9c: {  	s26 =	sadd.s32 $0x10, s24;
	v7 =	vsel vm14, $0x1, v4  }
0x9d: {  	v6 =	vmov s26;
	(xrf0) =	vadd.scan.msk.s32 $0xffff, v7  }
0x9e: {  	v6 =	vshll.u32 v6, $0xE  }
0x9f: {  	v6 =	vor.u32 v3, v6;
	v5 =	vand.u32 $0x3FFF, v5;
	s31 =	spop (v2sf)  }
0xa0: {  	v5 =	vor.u32 v6, v5;
	s26 =	sadd.s32 s29, s31  }
0xa1: {  	[tilespmem:s26+$0x1ED00] =	vst.msk vm14, v5  }
0xa2: {  	v6, _, _ =	vpop (xrf0);
	v5 =	vld [tilespmem:s25+$0x0]  }
0xa3: {  	(v2sf) =	vpush v6, $0xF;
	v6, _, _ =	vpop (xrf0)  }
0xa4: {  	(v2sf) =	vpush v6, $0xF;
	_ =	sdelay $0x2  }
0xa5: {  	v7 =	vshra.s32 v5, $0xE  }
0xa6: {  	vm15 =	veq.s32 v7, v0  }
0xa7: {  	v6 =	vsel vm15, $0x1, v4  }
0xa8: {  	(xrf0) =	vadd.scan.msk.s32 $0xffff, v6;
	_ =	sdelay $0x5  }
0xa9: {  	v6, _, _ =	vpop (xrf0)  }
0xaa: {  	(v2sf) =	vpush v6, $0xF  }
0xab: {  	s25 =	spop (v2sf)  }
0xac: {  	s28 =	spop (v2sf)  }
0xad: {  	s26 =	sadd.s32 s26, s28  }
0xae: {  	s28 =	sadd.s32 $0xF, s26  }
0xaf: {  	s31 =	sand.u32 $0xF, s28  }
0xb0: {  	s29 =	sshra.s32 s28, $0x1F;
	p1 =	slt.s32 s28, $0x1;
	p0 =	sne.s32 s31, $0x0  }
0xb1: {  	s29 =	sshrl.u32 s29, $0x1C;
	p0 =	por !p1, !p0  }
0xb2: {  	s29 =	sadd.s32 s29, s28;
	s28 =	simm.s32 $0x1;
	p0 =	por !p0, !p0  }
0xb3: {  	s31 =	sadd.s32 $0x150, s24;
	s24 =	sshra.s32 s29, $0x4;
	s28 =	simm.s32 @!p0 $0x0  }
0xb4: {  	s28 =	ssub.s32 s24, s28  }
0xb5: {  	p0 =	slt.s32 s28, $0x1  }
.Ltmp6:
0xb6: {  	v6 =	vmov s31;
	(pc) =	sbr.rel @p0 .LBB2_10-.Ltmp6, $4  }
0xb7: {  	v6 =	vshll.u32 v6, $0xE  }
0xb8: {  	v5 =	vand.u32 $0x3FFF, v5;
	v6 =	vor.u32 v3, v6  }
0xb9: {  	s30 =	sadd.s32 s30, s25;
	v5 =	vor.u32 v6, v5;
	s31 =	spop (v2sf)  }
0xba: {  	[tilespmem:s30+$0x1EE80] =	vst.msk vm15, v5;
	s24 =	sadd.s32 s30, s31  }
0xbb: {  	s25 =	simm.s32 $0x1ED00  }
0xbc: {  	v6 =	vld [tilespmem:s25+$0x0];
	_ =	sdelay $0x3  }
0xbd: {  	v5 =	vmov s26;
	s26 =	simm.s32 $0x0  }
0xbe: {  	v8 =	vor.u32 s26, v1;
	v7 =	vshrl.u32 v6, $0xE;
	v9 =	vshrl.u32 v6, $0xB  }
0xbf: {  	vm0 =	vlt.s32 v8, v5;
	v7 =	vand.u32 $0x7F, v7;
	v8 =	vand.u32 $0x1FFC00, v9  }
0xc0: {  	v7 =	vor.u32 v7, v8;
	_ =	sdelay $0x4  }
0xc1: {  	v60 =	vand.u32 $0x3FFF, v6;
	v8 =	vld.idx.msk [tilespmem:v7+s11+$0x0], vm0  }
0xc2: {  	v6 =	vor.u32 $0x80, v7;
	_ =	sdelay $0x3  }
0xc3: {  	[tilespmem:v60+s2+$0x0] =	vst.idx.msk vm0, v8  }
0xc4: {  	v8 =	vor.u32 $0x4000, v60;
	v6 =	vld.idx.msk [tilespmem:v6+s11+$0x0], vm0  }
0xc5: {  	v10 =	vor.u32 $0x100, v7;
	_ =	sdelay $0x3  }
0xc6: {  	[tilespmem:v8+s2+$0x0] =	vst.idx.msk vm0, v6  }
0xc7: {  	v8 =	vor.u32 $0x8000, v60;
	v6 =	vld.idx.msk [tilespmem:v10+s11+$0x0], vm0  }
0xc8: {  	v61 =	vor.u32 $0x180, v7;
	_ =	sdelay $0x3  }
0xc9: {  	[tilespmem:v8+s2+$0x0] =	vst.idx.msk vm0, v6  }
0xca: {  	v8 =	vor.u32 $0xC000, v60;
	v6 =	vld.idx.msk [tilespmem:v61+s11+$0x0], vm0  }
0xcb: {  	v62 =	vor.u32 $0x200, v7;
	_ =	sdelay $0x3  }
0xcc: {  	[tilespmem:v8+s2+$0x0] =	vst.idx.msk vm0, v6  }
0xcd: {  	v8 =	vor.u32 $0x10000, v60;
	v6 =	vld.idx.msk [tilespmem:v62+s11+$0x0], vm0  }
0xce: {  	v63 =	vor.u32 $0x280, v7;
	_ =	sdelay $0x3  }
0xcf: {  	[tilespmem:v8+s2+$0x0] =	vst.idx.msk vm0, v6  }
0xd0: {  	v8 =	vor.u32 $0x14000, v60;
	v6 =	vld.idx.msk [tilespmem:v63+s11+$0x0], vm0  }
0xd1: {  	p0 =	sne.s32 s28, $0x1;
	v7 =	vor.u32 $0x300, v7  }
.Ltmp7:
0xd2: {  	_ = 	snop;
	(pc) =	sbr.rel @!p0 .LBB2_9-.Ltmp7, $3  }
0xd3: {  	_ =	sdelay $0x1  }
0xd4: {  	[tilespmem:v8+s2+$0x0] =	vst.idx.msk vm0, v6  }
0xd5: {  	s28 =	sadd.s32 $0xFFFFFFFF, s28;
	v6 =	vld.idx.msk [tilespmem:v7+s11+$0x0], vm0;
	v7 =	vor.u32 $0x18000, v60  }
.LBB2_8:
0xd6: {  	_ =	sdelay $0x3  }
0xd7: {  	p0 =	sne.s32 s28, $0x1;
	s25 =	sadd.s32 $0x10, s25;
	s26 =	sadd.s32 $0x10, s26;
	[tilespmem:v7+s2+$0x0] =	vst.idx.msk vm0, v6  }
0xd8: {  	s28 =	sadd.s32 $0xFFFFFFFF, s28;
	v6 =	vld [tilespmem:s25+$0x0];
	_ =	sdelay $0x4  }
0xd9: {  	v8 =	vor.u32 s26, v1;
	v7 =	vshrl.u32 v6, $0xE;
	v9 =	vshrl.u32 v6, $0xB  }
0xda: {  	vm0 =	vlt.s32 v8, v5;
	v7 =	vand.u32 $0x7F, v7;
	v8 =	vand.u32 $0x1FFC00, v9  }
0xdb: {  	v7 =	vor.u32 v7, v8;
	_ =	sdelay $0x4  }
0xdc: {  	v8 =	vld.idx.msk [tilespmem:v7+s11+$0x0], vm0  }
0xdd: {  	v9 =	vand.u32 $0x3FFF, v6  }
0xde: {  	v6 =	vor.u32 $0x80, v7;
	_ =	sdelay $0x3  }
0xdf: {  	[tilespmem:v9+s2+$0x0] =	vst.idx.msk vm0, v8  }
0xe0: {  	v6 =	vld.idx.msk [tilespmem:v6+s11+$0x0], vm0  }
0xe1: {  	v8 =	vor.u32 $0x4000, v9  }
0xe2: {  	v10 =	vor.u32 $0x100, v7;
	_ =	sdelay $0x3  }
0xe3: {  	[tilespmem:v8+s2+$0x0] =	vst.idx.msk vm0, v6  }
0xe4: {  	v6 =	vld.idx.msk [tilespmem:v10+s11+$0x0], vm0  }
0xe5: {  	v8 =	vor.u32 $0x8000, v9  }
0xe6: {  	v10 =	vor.u32 $0x180, v7;
	_ =	sdelay $0x3  }
0xe7: {  	[tilespmem:v8+s2+$0x0] =	vst.idx.msk vm0, v6  }
0xe8: {  	v6 =	vld.idx.msk [tilespmem:v10+s11+$0x0], vm0  }
0xe9: {  	v8 =	vor.u32 $0xC000, v9  }
0xea: {  	v10 =	vor.u32 $0x200, v7;
	_ =	sdelay $0x3  }
0xeb: {  	[tilespmem:v8+s2+$0x0] =	vst.idx.msk vm0, v6  }
0xec: {  	v6 =	vld.idx.msk [tilespmem:v10+s11+$0x0], vm0  }
0xed: {  	v8 =	vor.u32 $0x10000, v9  }
0xee: {  	v10 =	vor.u32 $0x280, v7;
	_ =	sdelay $0x3  }
0xef: {  	[tilespmem:v8+s2+$0x0] =	vst.idx.msk vm0, v6  }
0xf0: {  	v6 =	vld.idx.msk [tilespmem:v10+s11+$0x0], vm0  }
0xf1: {  	v8 =	vor.u32 $0x14000, v9  }
0xf2: {  	v7 =	vor.u32 $0x300, v7;
	_ =	sdelay $0x1  }
.Ltmp8:
0xf3: {  	(pc) =	sbr.rel @p0 .LBB2_8-.Ltmp8, $4  }
0xf4: {  	_ = 	snop  }
0xf5: {  	[tilespmem:v8+s2+$0x0] =	vst.idx.msk vm0, v6  }
0xf6: {  	v6 =	vld.idx.msk [tilespmem:v7+s11+$0x0], vm0  }
0xf7: {  	v7 =	vor.u32 $0x18000, v9  }
.LBB2_9:
0xf8: {  	_ =	sdelay $0x4  }
0xf9: {  	[tilespmem:v7+s2+$0x0] =	vst.idx.msk vm0, v6  }
.LBB2_10:
0xfa: {  	s25 =	sadd.s32 $0xF, s24  }
0xfb: {  	s26 =	sand.u32 $0xF, s25  }
0xfc: {  	s28 =	sshra.s32 s25, $0x1F;
	p0 =	slt.s32 s25, $0x1;
	p1 =	sne.s32 s26, $0x0  }
0xfd: {  	s31 =	sshrl.u32 s28, $0x1C;
	p0 =	por !p0, !p1  }
0xfe: {  	s26 =	simm.s32 $0x1;
	s25 =	sadd.s32 s31, s25;
	p0 =	por !p0, !p0  }
0xff: {  	s25 =	sshra.s32 s25, $0x4;
	s26 =	simm.s32 @!p0 $0x0  }
0x100: {  	s26 =	ssub.s32 s25, s26  }
0x101: {  	p0 =	slt.s32 s26, $0x1  }
.Ltmp9:
0x102: {  	_ = 	snop;
	(pc) =	sbr.rel @p0 .LBB2_14-.Ltmp9, $1  }
0x103: {  	_ =	sdelay $0x3  }
0x104: {  	s25 =	simm.s32 $0x1EE80  }
0x105: {  	v6 =	vld [tilespmem:s25+$0x0];
	_ =	sdelay $0x3  }
0x106: {  	v5 =	vmov s24;
	s24 =	simm.s32 $0x0  }
0x107: {  	v8 =	vor.u32 s24, v1;
	v7 =	vshrl.u32 v6, $0xE;
	v9 =	vshrl.u32 v6, $0xB  }
0x108: {  	vm0 =	vlt.s32 v8, v5;
	v7 =	vand.u32 $0x7F, v7;
	v8 =	vand.u32 $0x1FFC00, v9  }
0x109: {  	v7 =	vor.u32 v7, v8;
	_ =	sdelay $0x4  }
0x10a: {  	v60 =	vand.u32 $0x3FFF, v6;
	v8 =	vld.idx.msk [tilespmem:v7+s11+$0x0], vm0  }
0x10b: {  	v6 =	vor.u32 $0x80, v7;
	_ =	sdelay $0x3  }
0x10c: {  	[tilespmem:v60+s2+$0x0] =	vst.idx.msk vm0, v8  }
0x10d: {  	v8 =	vor.u32 $0x4000, v60;
	v6 =	vld.idx.msk [tilespmem:v6+s11+$0x0], vm0  }
0x10e: {  	v10 =	vor.u32 $0x100, v7;
	_ =	sdelay $0x3  }
0x10f: {  	[tilespmem:v8+s2+$0x0] =	vst.idx.msk vm0, v6  }
0x110: {  	v8 =	vor.u32 $0x8000, v60;
	v6 =	vld.idx.msk [tilespmem:v10+s11+$0x0], vm0  }
0x111: {  	v61 =	vor.u32 $0x180, v7;
	_ =	sdelay $0x3  }
0x112: {  	[tilespmem:v8+s2+$0x0] =	vst.idx.msk vm0, v6  }
0x113: {  	v8 =	vor.u32 $0xC000, v60;
	v6 =	vld.idx.msk [tilespmem:v61+s11+$0x0], vm0  }
0x114: {  	v62 =	vor.u32 $0x200, v7;
	_ =	sdelay $0x3  }
0x115: {  	[tilespmem:v8+s2+$0x0] =	vst.idx.msk vm0, v6  }
0x116: {  	v8 =	vor.u32 $0x10000, v60;
	v6 =	vld.idx.msk [tilespmem:v62+s11+$0x0], vm0  }
0x117: {  	v63 =	vor.u32 $0x280, v7;
	_ =	sdelay $0x3  }
0x118: {  	[tilespmem:v8+s2+$0x0] =	vst.idx.msk vm0, v6  }
0x119: {  	v8 =	vor.u32 $0x14000, v60;
	v6 =	vld.idx.msk [tilespmem:v63+s11+$0x0], vm0  }
0x11a: {  	p0 =	sne.s32 s26, $0x1;
	v7 =	vor.u32 $0x300, v7  }
.Ltmp10:
0x11b: {  	_ = 	snop;
	(pc) =	sbr.rel @!p0 .LBB2_13-.Ltmp10, $3  }
0x11c: {  	_ =	sdelay $0x1  }
0x11d: {  	[tilespmem:v8+s2+$0x0] =	vst.idx.msk vm0, v6  }
0x11e: {  	s26 =	sadd.s32 $0xFFFFFFFF, s26;
	v6 =	vld.idx.msk [tilespmem:v7+s11+$0x0], vm0;
	v7 =	vor.u32 $0x18000, v60  }
.LBB2_12:
0x11f: {  	_ =	sdelay $0x3  }
0x120: {  	p0 =	sne.s32 s26, $0x1;
	s25 =	sadd.s32 $0x10, s25;
	s24 =	sadd.s32 $0x10, s24;
	[tilespmem:v7+s2+$0x0] =	vst.idx.msk vm0, v6  }
0x121: {  	s26 =	sadd.s32 $0xFFFFFFFF, s26;
	v6 =	vld [tilespmem:s25+$0x0];
	_ =	sdelay $0x4  }
0x122: {  	v8 =	vor.u32 s24, v1;
	v7 =	vshrl.u32 v6, $0xE;
	v9 =	vshrl.u32 v6, $0xB  }
0x123: {  	vm0 =	vlt.s32 v8, v5;
	v7 =	vand.u32 $0x7F, v7;
	v8 =	vand.u32 $0x1FFC00, v9  }
0x124: {  	v7 =	vor.u32 v7, v8;
	_ =	sdelay $0x4  }
0x125: {  	v8 =	vld.idx.msk [tilespmem:v7+s11+$0x0], vm0  }
0x126: {  	v9 =	vand.u32 $0x3FFF, v6  }
0x127: {  	v6 =	vor.u32 $0x80, v7;
	_ =	sdelay $0x3  }
0x128: {  	[tilespmem:v9+s2+$0x0] =	vst.idx.msk vm0, v8  }
0x129: {  	v6 =	vld.idx.msk [tilespmem:v6+s11+$0x0], vm0  }
0x12a: {  	v8 =	vor.u32 $0x4000, v9  }
0x12b: {  	v10 =	vor.u32 $0x100, v7;
	_ =	sdelay $0x3  }
0x12c: {  	[tilespmem:v8+s2+$0x0] =	vst.idx.msk vm0, v6  }
0x12d: {  	v6 =	vld.idx.msk [tilespmem:v10+s11+$0x0], vm0  }
0x12e: {  	v8 =	vor.u32 $0x8000, v9  }
0x12f: {  	v10 =	vor.u32 $0x180, v7;
	_ =	sdelay $0x3  }
0x130: {  	[tilespmem:v8+s2+$0x0] =	vst.idx.msk vm0, v6  }
0x131: {  	v6 =	vld.idx.msk [tilespmem:v10+s11+$0x0], vm0  }
0x132: {  	v8 =	vor.u32 $0xC000, v9  }
0x133: {  	v10 =	vor.u32 $0x200, v7;
	_ =	sdelay $0x3  }
0x134: {  	[tilespmem:v8+s2+$0x0] =	vst.idx.msk vm0, v6  }
0x135: {  	v6 =	vld.idx.msk [tilespmem:v10+s11+$0x0], vm0  }
0x136: {  	v8 =	vor.u32 $0x10000, v9  }
0x137: {  	v10 =	vor.u32 $0x280, v7;
	_ =	sdelay $0x3  }
0x138: {  	[tilespmem:v8+s2+$0x0] =	vst.idx.msk vm0, v6  }
0x139: {  	v6 =	vld.idx.msk [tilespmem:v10+s11+$0x0], vm0  }
0x13a: {  	v8 =	vor.u32 $0x14000, v9  }
0x13b: {  	v7 =	vor.u32 $0x300, v7;
	_ =	sdelay $0x1  }
.Ltmp11:
0x13c: {  	(pc) =	sbr.rel @p0 .LBB2_12-.Ltmp11, $4  }
0x13d: {  	_ = 	snop  }
0x13e: {  	[tilespmem:v8+s2+$0x0] =	vst.idx.msk vm0, v6  }
0x13f: {  	v6 =	vld.idx.msk [tilespmem:v7+s11+$0x0], vm0  }
0x140: {  	v7 =	vor.u32 $0x18000, v9  }
.LBB2_13:
0x141: {  	_ =	sdelay $0x4  }
0x142: {  	[tilespmem:v7+s2+$0x0] =	vst.idx.msk vm0, v6  }
.LBB2_14:
0x143: {  	p0 =	seq.s32 s22, $0x5D  }
0x144: {  	s23 =	sadd.s32 @!p0 s23, s8;
	s25 =	simm.s32 @!p0 $0x0  }
0x145: {  	s26 =	simm.s32 @!p0 $0x1C000;
	s24 =	sadd.s32 @!p0 s3, s23;
	s23 =	sshrl.u32 @!p0 s23, $0x3  }
0x146: {  	[tilespmem:s26], [sflag:$0x1] =	stream.linear.gather @!p0 [hbm4b:s24+s25], $0x1400, $0x38;
	[tilespmem:$0x1F000] =	vst v63  }
0x147: {  	s23 =	sadd.s32 @!p0 s4, s23;
	s24 =	simm.s32 @!p0 $0x1D400  }
0x148: {  	[tilespmem:s24], [sflag:$0x1] =	stream.linear.gather @!p0 [hbm4b:s23+s25], $0x280, $0x38;
	[tilespmem:$0x1F000] =	vst v63  }
0x149: {  	_ =	swait.ge [sflag:s16], $0x1400  }
0x14a: {  	[sflag:s16] =	ssyncset.done $0x0  }
0x14b: {  	[sflag:s16] =	ssyncadd.s32 $0xFFFFEC00  }
0x14c: {  	_ =	swait.ge [sflag:s16], $0x280  }
0x14d: {  	[sflag:s16] =	ssyncset.done $0x0  }
0x14e: {  	s23 =	simm.s32 $0x1EBD0;
	[sflag:s16] =	ssyncadd.s32 $0xFFFFFD80  }
0x14f: {  	v5 =	vld [tilespmem:s23+$0xFFFFFEB0];
	_ =	sdelay $0x4  }
0x150: {  	v6 =	vshra.s32 v5, $0xE  }
0x151: {  	vm0 =	veq.s32 v6, v0  }
0x152: {  	s30 =	simm.s32 $0x0;
	v6 =	vsel vm0, $0x1, v4  }
0x153: {  	(xrf0) =	vadd.scan.msk.s32 $0xffff, v6;
	v6 =	vmov s30  }
0x154: {  	v6 =	vshll.u32 v6, $0xE  }
0x155: {  	v5 =	vand.u32 $0x3FFF, v5;
	v6 =	vor.u32 v3, v6  }
0x156: {  	v5 =	vor.u32 v6, v5  }
0x157: {  	[tilespmem:s30+$0x1ED00] =	vst.msk vm0, v5  }
0x158: {  	v5 =	vld [tilespmem:s23+$0xFFFFFFF0]  }
0x159: {  	v6, _, _ =	vpop (xrf0)  }
0x15a: {  	s31 =	simm.s32 $0x140;
	(v2sf) =	vpush v6, $0xF  }
0x15b: {  	v6 =	vmov s31  }
0x15c: {  	v6 =	vshll.u32 v6, $0xE  }
0x15d: {  	v6 =	vor.u32 v3, v6;
	v7 =	vshra.s32 v5, $0xE;
	v5 =	vand.u32 $0x3FFF, v5  }
0x15e: {  	vm0 =	veq.s32 v7, v0;
	v5 =	vor.u32 v6, v5  }
0x15f: {  	v6 =	vsel vm0, $0x1, v4;
	[tilespmem:s30+$0x1EE80] =	vst.msk vm0, v5  }
0x160: {  	(xrf0) =	vadd.scan.msk.s32 $0xffff, v6;
	v5 =	vld [tilespmem:s23+$0xFFFFFEC0];
	_ =	sdelay $0x4  }
0x161: {  	v6 =	vshra.s32 v5, $0xE  }
0x162: {  	s26 =	simm.s32 $0x10;
	v7, _, _ =	vpop (xrf0);
	vm0 =	veq.s32 v6, v0  }
0x163: {  	v6 =	vmov s26;
	(v2sf) =	vpush v7, $0xF;
	v7 =	vsel vm0, $0x1, v4  }
0x164: {  	v6 =	vshll.u32 v6, $0xE;
	(xrf0) =	vadd.scan.msk.s32 $0xffff, v7  }
0x165: {  	v5 =	vand.u32 $0x3FFF, v5;
	v6 =	vor.u32 v3, v6;
	s30 =	spop (v2sf)  }
0x166: {  	v5 =	vor.u32 v6, v5;
	s31 =	sadd.s32 $0x0, s30  }
0x167: {  	[tilespmem:s31+$0x1ED00] =	vst.msk vm0, v5  }
0x168: {  	v5 =	vld [tilespmem:s23+$0x0];
	_ =	sdelay $0x1  }
0x169: {  	v6, _, _ =	vpop (xrf0)  }
0x16a: {  	(v2sf) =	vpush v6, $0xF;
	_ =	sdelay $0x1  }
0x16b: {  	v6 =	vshra.s32 v5, $0xE  }
0x16c: {  	vm0 =	veq.s32 v6, v0  }
0x16d: {  	s26 =	simm.s32 $0x150;
	v6 =	vsel vm0, $0x1, v4  }
0x16e: {  	(xrf0) =	vadd.scan.msk.s32 $0xffff, v6;
	v6 =	vmov s26  }
0x16f: {  	v6 =	vshll.u32 v6, $0xE  }
0x170: {  	v5 =	vand.u32 $0x3FFF, v5;
	v6 =	vor.u32 v3, v6;
	s30 =	spop (v2sf)  }
0x171: {  	s26 =	sadd.s32 $0x0, s30;
	v5 =	vor.u32 v6, v5  }
0x172: {  	s24 =	simm.s32 $0x1EBF0;
	[tilespmem:s26+$0x1EE80] =	vst.msk vm0, v5  }
0x173: {  	v5 =	vld [tilespmem:s24+$0xFFFFFEB0];
	_ =	sdelay $0x1  }
0x174: {  	s23 =	simm.s32 $0x20;
	v6, _, _ =	vpop (xrf0)  }
0x175: {  	(v2sf) =	vpush v6, $0xF;
	v6 =	vmov s23  }
0x176: {  	v6 =	vshll.u32 v6, $0xE  }
0x177: {  	v6 =	vor.u32 v3, v6;
	v7 =	vshra.s32 v5, $0xE;
	v5 =	vand.u32 $0x3FFF, v5;
	s28 =	spop (v2sf)  }
0x178: {  	vm0 =	veq.s32 v7, v0;
	v5 =	vor.u32 v6, v5;
	s28 =	sadd.s32 s31, s28  }
0x179: {  	[tilespmem:s28+$0x1ED00] =	vst.msk vm0, v5  }
0x17a: {  	v6 =	vld [tilespmem:s24+$0xFFFFFFF0]  }
0x17b: {  	v5 =	vsel vm0, $0x1, v4  }
0x17c: {  	(xrf0) =	vadd.scan.msk.s32 $0xffff, v5;
	_ =	sdelay $0x2  }
0x17d: {  	v7 =	vshra.s32 v6, $0xE;
	_ =	sdelay $0x2  }
0x17e: {  	vm0 =	veq.s32 v7, v0;
	v7, _, _ =	vpop (xrf0)  }
0x17f: {  	s31 =	simm.s32 $0x160;
	(v2sf) =	vpush v7, $0xF  }
0x180: {  	v5 =	vmov s31  }
0x181: {  	v5 =	vshll.u32 v5, $0xE  }
0x182: {  	v5 =	vor.u32 v3, v5;
	v6 =	vand.u32 $0x3FFF, v6;
	v8 =	vsel vm0, $0x1, v4  }
0x183: {  	s25 =	simm.s32 $0x2;
	v5 =	vor.u32 v5, v6;
	(xrf0) =	vadd.scan.msk.s32 $0xffff, v8;
	s29 =	spop (v2sf)  }
.LBB2_15:
0x184: {  	s25 =	sadd.s32 $0x2, s25;
	s26 =	sadd.s32 s26, s29  }
0x185: {  	p0 =	slt.u32 s25, $0x12;
	[tilespmem:s26+$0x1EE80] =	vst.msk vm0, v5  }
0x186: {  	v5 =	vld [tilespmem:s24+$0xFFFFFEC0];
	_ =	sdelay $0x2  }
0x187: {  	v6, _, _ =	vpop (xrf0)  }
0x188: {  	(v2sf) =	vpush v6, $0xF  }
0x189: {  	s29 =	sadd.s32 $0x10, s23;
	v6 =	vshra.s32 v5, $0xE;
	v5 =	vand.u32 $0x3FFF, v5  }
0x18a: {  	vm0 =	veq.s32 v6, v0;
	v6 =	vmov s29  }
0x18b: {  	v6 =	vshll.u32 v6, $0xE;
	v7 =	vsel vm0, $0x1, v4  }
0x18c: {  	v6 =	vor.u32 v3, v6;
	s29 =	spop (v2sf);
	(xrf0) =	vadd.scan.msk.s32 $0xffff, v7  }
0x18d: {  	s28 =	sadd.s32 s28, s29;
	v5 =	vor.u32 v6, v5  }
0x18e: {  	[tilespmem:s28+$0x1ED00] =	vst.msk vm0, v5  }
0x18f: {  	v5 =	vld [tilespmem:s24+$0x0];
	_ =	sdelay $0x2  }
0x190: {  	v6, _, _ =	vpop (xrf0)  }
0x191: {  	(v2sf) =	vpush v6, $0xF  }
0x192: {  	s29 =	sadd.s32 $0x150, s23;
	v6 =	vshra.s32 v5, $0xE;
	v5 =	vand.u32 $0x3FFF, v5  }
0x193: {  	vm0 =	veq.s32 v6, v0;
	v6 =	vmov s29  }
0x194: {  	v6 =	vshll.u32 v6, $0xE;
	v7 =	vsel vm0, $0x1, v4  }
0x195: {  	v6 =	vor.u32 v3, v6;
	s29 =	spop (v2sf);
	(xrf0) =	vadd.scan.msk.s32 $0xffff, v7  }
0x196: {  	s26 =	sadd.s32 s26, s29;
	v5 =	vor.u32 v6, v5  }
0x197: {  	s24 =	sadd.s32 $0x20, s24;
	[tilespmem:s26+$0x1EE80] =	vst.msk vm0, v5  }
0x198: {  	v5 =	vld [tilespmem:s24+$0xFFFFFEB0];
	_ =	sdelay $0x2  }
0x199: {  	v6, _, _ =	vpop (xrf0)  }
0x19a: {  	(v2sf) =	vpush v6, $0xF  }
0x19b: {  	s23 =	sadd.s32 $0x20, s23;
	v6 =	vshra.s32 v5, $0xE;
	v5 =	vand.u32 $0x3FFF, v5  }
0x19c: {  	vm0 =	veq.s32 v6, v0;
	v6 =	vmov s23  }
0x19d: {  	v6 =	vshll.u32 v6, $0xE;
	v7 =	vsel vm0, $0x1, v4  }
0x19e: {  	v6 =	vor.u32 v3, v6;
	(xrf0) =	vadd.scan.msk.s32 $0xffff, v7;
	s29 =	spop (v2sf)  }
0x19f: {  	v5 =	vor.u32 v6, v5;
	s28 =	sadd.s32 s28, s29  }
0x1a0: {  	[tilespmem:s28+$0x1ED00] =	vst.msk vm0, v5  }
0x1a1: {  	v5 =	vld [tilespmem:s24+$0xFFFFFFF0];
	_ =	sdelay $0x1  }
0x1a2: {  	s29 =	sadd.s32 $0x140, s23  }
0x1a3: {  	v6 =	vmov s29;
	v7, _, _ =	vpop (xrf0)  }
.Ltmp12:
0x1a4: {  	v6 =	vshll.u32 v6, $0xE;
	(v2sf) =	vpush v7, $0xF;
	(pc) =	sbr.rel @p0 .LBB2_15-.Ltmp12, $4  }
0x1a5: {  	v6 =	vor.u32 v3, v6;
	v7 =	vshra.s32 v5, $0xE;
	v5 =	vand.u32 $0x3FFF, v5  }
0x1a6: {  	vm0 =	veq.s32 v7, v0;
	v5 =	vor.u32 v6, v5  }
0x1a7: {  	v6 =	vsel vm0, $0x1, v4  }
0x1a8: {  	(xrf0) =	vadd.scan.msk.s32 $0xffff, v6;
	s29 =	spop (v2sf)  }
0x1a9: {  	s29 =	sadd.s32 s26, s29  }
0x1aa: {  	[tilespmem:s29+$0x1EE80] =	vst.msk vm0, v5  }
0x1ab: {  	v5 =	vld [tilespmem:s24+$0xFFFFFEC0];
	_ =	sdelay $0x4  }
0x1ac: {  	v7 =	vshra.s32 v5, $0xE  }
0x1ad: {  	vm14 =	veq.s32 v7, v0  }
0x1ae: {  	s25 =	sadd.s32 $0x10, s23;
	v7 =	vsel vm14, $0x1, v4  }
0x1af: {  	v6 =	vmov s25;
	(xrf0) =	vadd.scan.msk.s32 $0xffff, v7  }
0x1b0: {  	v6 =	vshll.u32 v6, $0xE  }
0x1b1: {  	v6 =	vor.u32 v3, v6;
	v5 =	vand.u32 $0x3FFF, v5;
	s26 =	spop (v2sf)  }
0x1b2: {  	v5 =	vor.u32 v6, v5;
	s25 =	sadd.s32 s28, s26  }
0x1b3: {  	[tilespmem:s25+$0x1ED00] =	vst.msk vm14, v5  }
0x1b4: {  	v6, _, _ =	vpop (xrf0);
	v5 =	vld [tilespmem:s24+$0x0]  }
0x1b5: {  	(v2sf) =	vpush v6, $0xF;
	v6, _, _ =	vpop (xrf0)  }
0x1b6: {  	(v2sf) =	vpush v6, $0xF;
	_ =	sdelay $0x2  }
0x1b7: {  	v7 =	vshra.s32 v5, $0xE  }
0x1b8: {  	vm15 =	veq.s32 v7, v0  }
0x1b9: {  	v6 =	vsel vm15, $0x1, v4  }
0x1ba: {  	(xrf0) =	vadd.scan.msk.s32 $0xffff, v6;
	_ =	sdelay $0x5  }
0x1bb: {  	v6, _, _ =	vpop (xrf0)  }
0x1bc: {  	(v2sf) =	vpush v6, $0xF  }
0x1bd: {  	s24 =	spop (v2sf)  }
0x1be: {  	s30 =	spop (v2sf)  }
0x1bf: {  	s25 =	sadd.s32 s25, s30  }
0x1c0: {  	s26 =	sadd.s32 $0xF, s25  }
0x1c1: {  	s31 =	sand.u32 $0xF, s26  }
0x1c2: {  	s30 =	sshra.s32 s26, $0x1F;
	p1 =	slt.s32 s26, $0x1;
	p0 =	sne.s32 s31, $0x0  }
0x1c3: {  	s28 =	sshrl.u32 s30, $0x1C;
	p0 =	por !p1, !p0  }
0x1c4: {  	s28 =	sadd.s32 s28, s26;
	s26 =	simm.s32 $0x1;
	p0 =	por !p0, !p0  }
0x1c5: {  	s31 =	sadd.s32 $0x150, s23;
	s23 =	sshra.s32 s28, $0x4;
	s26 =	simm.s32 @!p0 $0x0  }
0x1c6: {  	s26 =	ssub.s32 s23, s26  }
0x1c7: {  	p0 =	slt.s32 s26, $0x1  }
.Ltmp13:
0x1c8: {  	v6 =	vmov s31;
	(pc) =	sbr.rel @p0 .LBB2_20-.Ltmp13, $4  }
0x1c9: {  	v6 =	vshll.u32 v6, $0xE  }
0x1ca: {  	v5 =	vand.u32 $0x3FFF, v5;
	v6 =	vor.u32 v3, v6  }
0x1cb: {  	s30 =	sadd.s32 s29, s24;
	v5 =	vor.u32 v6, v5;
	s31 =	spop (v2sf)  }
0x1cc: {  	[tilespmem:s30+$0x1EE80] =	vst.msk vm15, v5;
	s23 =	sadd.s32 s30, s31  }
0x1cd: {  	s24 =	simm.s32 $0x1ED00  }
0x1ce: {  	v6 =	vld [tilespmem:s24+$0x0];
	_ =	sdelay $0x3  }
0x1cf: {  	v5 =	vmov s25;
	s25 =	simm.s32 $0x0  }
0x1d0: {  	v8 =	vor.u32 s25, v1;
	v7 =	vshrl.u32 v6, $0xE;
	v9 =	vshrl.u32 v6, $0xB  }
0x1d1: {  	vm0 =	vlt.s32 v8, v5;
	v7 =	vand.u32 $0x7F, v7;
	v8 =	vand.u32 $0x1FFC00, v9  }
0x1d2: {  	v7 =	vor.u32 v7, v8;
	_ =	sdelay $0x4  }
0x1d3: {  	v60 =	vand.u32 $0x3FFF, v6;
	v8 =	vld.idx.msk [tilespmem:v7+s13+$0x0], vm0  }
0x1d4: {  	v6 =	vor.u32 $0x80, v7;
	_ =	sdelay $0x3  }
0x1d5: {  	[tilespmem:v60+s2+$0x0] =	vst.idx.msk vm0, v8  }
0x1d6: {  	v8 =	vor.u32 $0x4000, v60;
	v6 =	vld.idx.msk [tilespmem:v6+s13+$0x0], vm0  }
0x1d7: {  	v10 =	vor.u32 $0x100, v7;
	_ =	sdelay $0x3  }
0x1d8: {  	[tilespmem:v8+s2+$0x0] =	vst.idx.msk vm0, v6  }
0x1d9: {  	v8 =	vor.u32 $0x8000, v60;
	v6 =	vld.idx.msk [tilespmem:v10+s13+$0x0], vm0  }
0x1da: {  	v61 =	vor.u32 $0x180, v7;
	_ =	sdelay $0x3  }
0x1db: {  	[tilespmem:v8+s2+$0x0] =	vst.idx.msk vm0, v6  }
0x1dc: {  	v8 =	vor.u32 $0xC000, v60;
	v6 =	vld.idx.msk [tilespmem:v61+s13+$0x0], vm0  }
0x1dd: {  	v62 =	vor.u32 $0x200, v7;
	_ =	sdelay $0x3  }
0x1de: {  	[tilespmem:v8+s2+$0x0] =	vst.idx.msk vm0, v6  }
0x1df: {  	v8 =	vor.u32 $0x10000, v60;
	v6 =	vld.idx.msk [tilespmem:v62+s13+$0x0], vm0  }
0x1e0: {  	v63 =	vor.u32 $0x280, v7;
	_ =	sdelay $0x3  }
0x1e1: {  	[tilespmem:v8+s2+$0x0] =	vst.idx.msk vm0, v6  }
0x1e2: {  	v8 =	vor.u32 $0x14000, v60;
	v6 =	vld.idx.msk [tilespmem:v63+s13+$0x0], vm0  }
0x1e3: {  	p0 =	sne.s32 s26, $0x1;
	v7 =	vor.u32 $0x300, v7  }
.Ltmp14:
0x1e4: {  	_ = 	snop;
	(pc) =	sbr.rel @!p0 .LBB2_19-.Ltmp14, $3  }
0x1e5: {  	_ =	sdelay $0x1  }
0x1e6: {  	[tilespmem:v8+s2+$0x0] =	vst.idx.msk vm0, v6  }
0x1e7: {  	s26 =	sadd.s32 $0xFFFFFFFF, s26;
	v6 =	vld.idx.msk [tilespmem:v7+s13+$0x0], vm0;
	v7 =	vor.u32 $0x18000, v60  }
.LBB2_18:
0x1e8: {  	_ =	sdelay $0x3  }
0x1e9: {  	p0 =	sne.s32 s26, $0x1;
	s24 =	sadd.s32 $0x10, s24;
	s25 =	sadd.s32 $0x10, s25;
	[tilespmem:v7+s2+$0x0] =	vst.idx.msk vm0, v6  }
0x1ea: {  	s26 =	sadd.s32 $0xFFFFFFFF, s26;
	v6 =	vld [tilespmem:s24+$0x0];
	_ =	sdelay $0x4  }
0x1eb: {  	v8 =	vor.u32 s25, v1;
	v7 =	vshrl.u32 v6, $0xE;
	v9 =	vshrl.u32 v6, $0xB  }
0x1ec: {  	vm0 =	vlt.s32 v8, v5;
	v7 =	vand.u32 $0x7F, v7;
	v8 =	vand.u32 $0x1FFC00, v9  }
0x1ed: {  	v7 =	vor.u32 v7, v8;
	_ =	sdelay $0x4  }
0x1ee: {  	v8 =	vld.idx.msk [tilespmem:v7+s13+$0x0], vm0  }
0x1ef: {  	v9 =	vand.u32 $0x3FFF, v6  }
0x1f0: {  	v6 =	vor.u32 $0x80, v7;
	_ =	sdelay $0x3  }
0x1f1: {  	[tilespmem:v9+s2+$0x0] =	vst.idx.msk vm0, v8  }
0x1f2: {  	v6 =	vld.idx.msk [tilespmem:v6+s13+$0x0], vm0  }
0x1f3: {  	v8 =	vor.u32 $0x4000, v9  }
0x1f4: {  	v10 =	vor.u32 $0x100, v7;
	_ =	sdelay $0x3  }
0x1f5: {  	[tilespmem:v8+s2+$0x0] =	vst.idx.msk vm0, v6  }
0x1f6: {  	v6 =	vld.idx.msk [tilespmem:v10+s13+$0x0], vm0  }
0x1f7: {  	v8 =	vor.u32 $0x8000, v9  }
0x1f8: {  	v10 =	vor.u32 $0x180, v7;
	_ =	sdelay $0x3  }
0x1f9: {  	[tilespmem:v8+s2+$0x0] =	vst.idx.msk vm0, v6  }
0x1fa: {  	v6 =	vld.idx.msk [tilespmem:v10+s13+$0x0], vm0  }
0x1fb: {  	v8 =	vor.u32 $0xC000, v9  }
0x1fc: {  	v10 =	vor.u32 $0x200, v7;
	_ =	sdelay $0x3  }
0x1fd: {  	[tilespmem:v8+s2+$0x0] =	vst.idx.msk vm0, v6  }
0x1fe: {  	v6 =	vld.idx.msk [tilespmem:v10+s13+$0x0], vm0  }
0x1ff: {  	v8 =	vor.u32 $0x10000, v9  }
0x200: {  	v10 =	vor.u32 $0x280, v7;
	_ =	sdelay $0x3  }
0x201: {  	[tilespmem:v8+s2+$0x0] =	vst.idx.msk vm0, v6  }
0x202: {  	v6 =	vld.idx.msk [tilespmem:v10+s13+$0x0], vm0  }
0x203: {  	v8 =	vor.u32 $0x14000, v9  }
0x204: {  	v7 =	vor.u32 $0x300, v7;
	_ =	sdelay $0x1  }
.Ltmp15:
0x205: {  	(pc) =	sbr.rel @p0 .LBB2_18-.Ltmp15, $4  }
0x206: {  	_ = 	snop  }
0x207: {  	[tilespmem:v8+s2+$0x0] =	vst.idx.msk vm0, v6  }
0x208: {  	v6 =	vld.idx.msk [tilespmem:v7+s13+$0x0], vm0  }
0x209: {  	v7 =	vor.u32 $0x18000, v9  }
.LBB2_19:
0x20a: {  	_ =	sdelay $0x4  }
0x20b: {  	[tilespmem:v7+s2+$0x0] =	vst.idx.msk vm0, v6  }
.LBB2_20:
0x20c: {  	s24 =	sadd.s32 $0xF, s23  }
0x20d: {  	s25 =	sand.u32 $0xF, s24  }
0x20e: {  	s26 =	sshra.s32 s24, $0x1F;
	p0 =	slt.s32 s24, $0x1;
	p1 =	sne.s32 s25, $0x0  }
0x20f: {  	s31 =	sshrl.u32 s26, $0x1C;
	p0 =	por !p0, !p1  }
0x210: {  	s25 =	simm.s32 $0x1;
	s24 =	sadd.s32 s31, s24;
	p0 =	por !p0, !p0  }
0x211: {  	s24 =	sshra.s32 s24, $0x4;
	s25 =	simm.s32 @!p0 $0x0  }
0x212: {  	s25 =	ssub.s32 s24, s25  }
0x213: {  	p0 =	slt.s32 s25, $0x1  }
.Ltmp16:
0x214: {  	_ = 	snop;
	(pc) =	sbr.rel @p0 .LBB2_24-.Ltmp16, $1  }
0x215: {  	_ =	sdelay $0x3  }
0x216: {  	s24 =	simm.s32 $0x1EE80  }
0x217: {  	v6 =	vld [tilespmem:s24+$0x0];
	_ =	sdelay $0x3  }
0x218: {  	v5 =	vmov s23;
	s23 =	simm.s32 $0x0  }
0x219: {  	v8 =	vor.u32 s23, v1;
	v7 =	vshrl.u32 v6, $0xE;
	v9 =	vshrl.u32 v6, $0xB  }
0x21a: {  	vm0 =	vlt.s32 v8, v5;
	v7 =	vand.u32 $0x7F, v7;
	v8 =	vand.u32 $0x1FFC00, v9  }
0x21b: {  	v7 =	vor.u32 v7, v8;
	_ =	sdelay $0x4  }
0x21c: {  	v60 =	vand.u32 $0x3FFF, v6;
	v8 =	vld.idx.msk [tilespmem:v7+s13+$0x0], vm0  }
0x21d: {  	v6 =	vor.u32 $0x80, v7;
	_ =	sdelay $0x3  }
0x21e: {  	[tilespmem:v60+s2+$0x0] =	vst.idx.msk vm0, v8  }
0x21f: {  	v8 =	vor.u32 $0x4000, v60;
	v6 =	vld.idx.msk [tilespmem:v6+s13+$0x0], vm0  }
0x220: {  	v10 =	vor.u32 $0x100, v7;
	_ =	sdelay $0x3  }
0x221: {  	[tilespmem:v8+s2+$0x0] =	vst.idx.msk vm0, v6  }
0x222: {  	v8 =	vor.u32 $0x8000, v60;
	v6 =	vld.idx.msk [tilespmem:v10+s13+$0x0], vm0  }
0x223: {  	v61 =	vor.u32 $0x180, v7;
	_ =	sdelay $0x3  }
0x224: {  	[tilespmem:v8+s2+$0x0] =	vst.idx.msk vm0, v6  }
0x225: {  	v8 =	vor.u32 $0xC000, v60;
	v6 =	vld.idx.msk [tilespmem:v61+s13+$0x0], vm0  }
0x226: {  	v62 =	vor.u32 $0x200, v7;
	_ =	sdelay $0x3  }
0x227: {  	[tilespmem:v8+s2+$0x0] =	vst.idx.msk vm0, v6  }
0x228: {  	v8 =	vor.u32 $0x10000, v60;
	v6 =	vld.idx.msk [tilespmem:v62+s13+$0x0], vm0  }
0x229: {  	v63 =	vor.u32 $0x280, v7;
	_ =	sdelay $0x3  }
0x22a: {  	[tilespmem:v8+s2+$0x0] =	vst.idx.msk vm0, v6  }
0x22b: {  	v8 =	vor.u32 $0x14000, v60;
	v6 =	vld.idx.msk [tilespmem:v63+s13+$0x0], vm0  }
0x22c: {  	v7 =	vor.u32 $0x300, v7;
	_ =	sdelay $0x3  }
0x22d: {  	p0 =	sne.s32 s25, $0x1;
	[tilespmem:v8+s2+$0x0] =	vst.idx.msk vm0, v6  }
.Ltmp17:
0x22e: {  	v6 =	vld.idx.msk [tilespmem:v7+s13+$0x0], vm0;
	v7 =	vor.u32 $0x18000, v60;
	(pc) =	sbr.rel @!p0 .LBB2_23-.Ltmp17, $2  }
0x22f: {  	_ =	sdelay $0x2  }
0x230: {  	s25 =	sadd.s32 $0xFFFFFFFF, s25  }
.LBB2_22:
0x231: {  	p0 =	sne.s32 s25, $0x1;
	[tilespmem:v7+s2+$0x0] =	vst.idx.msk vm0, v6;
	s24 =	sadd.s32 $0x10, s24;
	s23 =	sadd.s32 $0x10, s23  }
0x232: {  	s25 =	sadd.s32 $0xFFFFFFFF, s25;
	v6 =	vld [tilespmem:s24+$0x0];
	_ =	sdelay $0x4  }
0x233: {  	v8 =	vor.u32 s23, v1;
	v7 =	vshrl.u32 v6, $0xE;
	v9 =	vshrl.u32 v6, $0xB  }
0x234: {  	vm0 =	vlt.s32 v8, v5;
	v7 =	vand.u32 $0x7F, v7;
	v8 =	vand.u32 $0x1FFC00, v9  }
0x235: {  	v7 =	vor.u32 v7, v8;
	_ =	sdelay $0x4  }
0x236: {  	v8 =	vld.idx.msk [tilespmem:v7+s13+$0x0], vm0  }
0x237: {  	v9 =	vand.u32 $0x3FFF, v6  }
0x238: {  	v6 =	vor.u32 $0x80, v7;
	_ =	sdelay $0x3  }
0x239: {  	[tilespmem:v9+s2+$0x0] =	vst.idx.msk vm0, v8  }
0x23a: {  	v6 =	vld.idx.msk [tilespmem:v6+s13+$0x0], vm0  }
0x23b: {  	v8 =	vor.u32 $0x4000, v9  }
0x23c: {  	v10 =	vor.u32 $0x100, v7;
	_ =	sdelay $0x3  }
0x23d: {  	[tilespmem:v8+s2+$0x0] =	vst.idx.msk vm0, v6  }
0x23e: {  	v6 =	vld.idx.msk [tilespmem:v10+s13+$0x0], vm0  }
0x23f: {  	v8 =	vor.u32 $0x8000, v9  }
0x240: {  	v10 =	vor.u32 $0x180, v7;
	_ =	sdelay $0x3  }
0x241: {  	[tilespmem:v8+s2+$0x0] =	vst.idx.msk vm0, v6  }
0x242: {  	v6 =	vld.idx.msk [tilespmem:v10+s13+$0x0], vm0  }
0x243: {  	v8 =	vor.u32 $0xC000, v9  }
0x244: {  	v10 =	vor.u32 $0x200, v7;
	_ =	sdelay $0x3  }
0x245: {  	[tilespmem:v8+s2+$0x0] =	vst.idx.msk vm0, v6  }
0x246: {  	v6 =	vld.idx.msk [tilespmem:v10+s13+$0x0], vm0  }
0x247: {  	v8 =	vor.u32 $0x10000, v9  }
0x248: {  	v10 =	vor.u32 $0x280, v7;
	_ =	sdelay $0x3  }
0x249: {  	[tilespmem:v8+s2+$0x0] =	vst.idx.msk vm0, v6  }
0x24a: {  	v6 =	vld.idx.msk [tilespmem:v10+s13+$0x0], vm0  }
0x24b: {  	v8 =	vor.u32 $0x14000, v9  }
0x24c: {  	v7 =	vor.u32 $0x300, v7;
	_ =	sdelay $0x1  }
.Ltmp18:
0x24d: {  	(pc) =	sbr.rel @p0 .LBB2_22-.Ltmp18, $4  }
0x24e: {  	_ = 	snop  }
0x24f: {  	[tilespmem:v8+s2+$0x0] =	vst.idx.msk vm0, v6  }
0x250: {  	v6 =	vld.idx.msk [tilespmem:v7+s13+$0x0], vm0  }
0x251: {  	v7 =	vor.u32 $0x18000, v9  }
.Ltmp19:
0x252: {  	_ = 	snop;
	(pc) =	sbr.rel .LBB2_23-.Ltmp19, $1  }
0x253: {  	_ =	sdelay $0x3  }
.LBB2_26:
0x254: {  	_ =	sfence.sel $0x180000  }
0x255: {  	[bflag:$0x0] =	sbarrier.arrive $0xFFFF  }
0x256: {  	p0 =	sne.s32 s0, $0x0;
	_ =	strace $0x90000047  }
0x257: {  	s0 =	sadd.s32 @!p0 $0x100000, s1;
	[bflag:$0x2] =	sbarrier.arrive $0xFFFF  }
0x258: {  	[sflag:s0] =	ssyncadd.tile.s32 @!p0 $0x1;
	_ =	shalt  }
.Lfunc_end2:
_tile_overlayer_lowered:
.L_overlay_start_2:
0x259: {  	(tag) =	ssettag $0x2  }
0x25a: {  	s0 =	rddreg [dreg:$0x0];
	s2 =	stileid.u32  }
0x25b: {  	s1 =	rddreg [dreg:$0x1];
	p0 =	sne.s32 s2, $0x0  }
0x25c: {  	s3 =	rddreg [dreg:$0x2];
	[bflag:$0x3] =	sbarrier.arrive $0xFFFF;
	s2 =	simm.s32 @!p0 $0x1C03  }
0x25d: {  	[timem:s3], [sflag:s2] =	dma.local @!p0 [hbm:s0], s1  }
0x25e: {  	s0 =	simm.s32 @!p0 $0x3  }
0x25f: {  	_ =	swait.ge @!p0 [sflag:s0], s1  }
0x260: {  	s1 =	ssub.s32 @!p0 $0x0, s1;
	[sflag:s0] =	ssyncset.done @!p0 $0x0  }
0x261: {  	[sflag:s0] =	ssyncadd.s32 @!p0 s1  }
0x262: {  	[bflag:$0x3] =	sbarrier.arrive $0xFFFF  }
0x263: {  	_ =	shalt  }

</sc_bundles>
